<compile_context>
chip_gen: v7x
topology: tpu7x:2x2x1
jax: 0.10.2.dev20260603
libtpu: 0.0.44.dev20260713+nightly
codegen_flags: <defaults>
</compile_context>

<pallas_src>
import dataclasses
import functools

import jax
import jax.numpy as jnp
from jax.experimental import pallas as pl
from jax.experimental.pallas import tpu as pltpu
from jax.experimental.pallas import tpu_sc as plsc

NC = 2
NS = 16
LANES = 16
NW = NC * NS


def _sc_aggregate(x, row, col):
    n, d = x.shape
    e = row.shape[0]
    epw = e // NW
    B = 80
    chunks = epw // B
    WB = 80
    nwb = n // WB
    wb_per = (nwb + NS - 1) // NS

    mesh = plsc.VectorSubcoreMesh(
        core_axis_name="c", subcore_axis_name="s",
        num_cores=NC, num_subcores=NS)

    cp = pltpu.CompilerParams()
    if "needs_layout_passes" in pltpu.CompilerParams.__dataclass_fields__:
        cp = dataclasses.replace(cp, needs_layout_passes=False)

    z_feat = jnp.zeros((WB, d), jnp.float32)

    @functools.partial(
        pl.kernel,
        out_type=(jax.ShapeDtypeStruct((NC * n, d), jnp.float32),
                  jax.ShapeDtypeStruct((NW, n), jnp.float32)),
        mesh=mesh,
        compiler_params=cp,
        scratch_types=[
            [pltpu.VMEM((B,), jnp.int32)] * 3,
            [pltpu.VMEM((B,), jnp.int32)] * 3,
            [pltpu.VMEM((B, d), jnp.float32)] * 3,
            pltpu.VMEM((n,), jnp.float32),
            pltpu.VMEM_SHARED((n, d), jnp.float32),
            [pltpu.SemaphoreType.DMA] * 3,
            [pltpu.SemaphoreType.DMA] * 3,
            [pltpu.SemaphoreType.DMA] * 3,
        ],
    )
    def agg_kernel(x_hbm, row_hbm, col_hbm, zf_hbm,
                   sum_hbm, deg_hbm, rb, cb, gb, dloc, acc,
                   sem_r, sem_c, sem_g):
        cid = jax.lax.axis_index("c")
        sid = jax.lax.axis_index("s")
        wid = cid * NS + sid

        @pl.loop(0, wb_per)
        def _(k):
            blk = sid + k * NS

            @pl.when(blk < nwb)
            def _():
                pltpu.sync_copy(zf_hbm, acc.at[pl.ds(blk * WB, WB)])

        @pl.loop(0, n, step=LANES)
        def _(j):
            dloc[pl.ds(j, LANES)] = jnp.zeros((LANES,), jnp.float32)

        plsc.subcore_barrier()

        base = wid * epw
        ones_v = jnp.ones((LANES,), jnp.float32)

        def row_start(k, s):
            pltpu.async_copy(row_hbm.at[pl.ds(base + k * B, B)], rb[s],
                             sem_r[s])

        def col_start(k, s):
            pltpu.async_copy(col_hbm.at[pl.ds(base + k * B, B)], cb[s],
                             sem_c[s])

        def row_wait(s):
            pltpu.make_async_copy(row_hbm.at[pl.ds(base, B)], rb[s],
                                  sem_r[s]).wait()

        def col_wait(s):
            pltpu.make_async_copy(col_hbm.at[pl.ds(base, B)], cb[s],
                                  sem_c[s]).wait()

        def gather_start(s):
            pltpu.async_copy(x_hbm.at[rb[s]], gb[s], sem_g[s])

        def gather_wait(s):
            pltpu.make_async_copy(x_hbm.at[rb[s]], gb[s], sem_g[s]).wait()

        def scatter_deg(s):
            col_wait(s)
            pltpu.sync_copy(gb[s], acc.at[cb[s]], add=True)

            @pl.loop(0, B, step=LANES)
            def _(j):
                plsc.addupdate_scatter(dloc, [cb[s][pl.ds(j, LANES)]], ones_v)

        for s in range(3):
            row_start(s, s)
            col_start(s, s)
        for s in range(3):
            row_wait(s)
            gather_start(s)

        @pl.loop(0, chunks - 2, step=3)
        def _(k):
            for s in range(3):
                c_next = k + s + 3
                gather_wait(s)

                @pl.when(c_next < chunks)
                def _():
                    row_start(c_next, s)

                scatter_deg(s)

                @pl.when(c_next < chunks)
                def _():
                    col_start(c_next, s)
                    row_wait(s)
                    gather_start(s)

        for s in range(2):
            gather_wait(s)
            scatter_deg(s)

        plsc.subcore_barrier()

        @pl.loop(0, wb_per)
        def _(k):
            blk = sid + k * NS

            @pl.when(blk < nwb)
            def _():
                pltpu.sync_copy(acc.at[pl.ds(blk * WB, WB)],
                                sum_hbm.at[pl.ds(cid * n + blk * WB, WB)])

        pltpu.sync_copy(dloc, deg_hbm.at[wid])

    return agg_kernel(x, row, col, z_feat)


def _tc_degsum(pdeg):
    n = pdeg.shape[1]
    ones_nw = jnp.ones((NW, 1), jnp.float32)

    def body(dg_ref, on_ref, o_ref):
        deg = jax.lax.dot_general(
            dg_ref[...], on_ref[...], (((0,), (0,)), ((), ())),
            preferred_element_type=jnp.float32)
        o_ref[...] = jnp.maximum(deg, 1.0)

    return pl.pallas_call(
        body,
        out_shape=jax.ShapeDtypeStruct((n, 1), jnp.float32),
    )(pdeg, ones_nw)


def _tc_combine(x, psum, deg, wt, b2):
    n, d = x.shape
    dout = wt.shape[1]
    bm = 1000
    grid = n // bm

    def body(x_ref, p0_ref, p1_ref, dg_ref, wt_ref, b_ref, o_ref):
        aggr = (p0_ref[...] + p1_ref[...]) / dg_ref[...]
        cat = jnp.concatenate([x_ref[...], aggr], axis=1)
        o_ref[...] = jnp.dot(cat, wt_ref[...],
                             preferred_element_type=jnp.float32) + b_ref[...]

    return pl.pallas_call(
        body,
        grid=(grid,),
        in_specs=[
            pl.BlockSpec((bm, d), lambda i: (i, 0)),
            pl.BlockSpec((bm, d), lambda i: (i, 0)),
            pl.BlockSpec((bm, d), lambda i, g=grid: (i + g, 0)),
            pl.BlockSpec((bm, 1), lambda i: (i, 0)),
            pl.BlockSpec((2 * d, dout), lambda i: (0, 0)),
            pl.BlockSpec((1, dout), lambda i: (0, 0)),
        ],
        out_specs=pl.BlockSpec((bm, dout), lambda i: (i, 0)),
        out_shape=jax.ShapeDtypeStruct((n, dout), jnp.float32),
    )(x, psum, psum, deg, wt, b2)


def kernel(x, edge_index, W, b):
    row = edge_index[0].astype(jnp.int32)
    col = edge_index[1].astype(jnp.int32)
    psum, pdeg = _sc_aggregate(x, row, col)
    deg = _tc_degsum(pdeg)
    return _tc_combine(x, psum, deg, W.T, b[None, :])

# --- scband reference (transcript-rebuilt; emitter-appended) ---
"""Pipeline reference for scband-graph-sageconv-layer-5592047419417 (READ-ONLY COPY).

The authoritative reference and input builder live on the scoring server;
editing this copy changes nothing except your own understanding.
"""

import jax, jax.numpy as jnp
import numpy as np

N_NODES = 10000
D_FEAT = 128
N_EDGES = 320000
D_OUT = 128


def setup_inputs(seed: int = 0) -> dict:
    key = jax.random.key(seed)
    k1, k2, k3, k4 = jax.random.split(key, 4)
    x = jax.random.normal(k1, (N_NODES, D_FEAT), dtype=jnp.float32)
    edge_index = jax.random.randint(k2, (2, N_EDGES), 0, N_NODES, dtype=jnp.int64)
    # Linear(in_channels*2, out_channels): W [out, 2*in], b [out] (xavier_uniform / zeros)
    fan_in = 2 * D_FEAT
    fan_out = D_OUT
    bound = float(np.sqrt(6.0 / (fan_in + fan_out)))
    W = jax.random.uniform(k3, (D_OUT, 2 * D_FEAT), minval=-bound, maxval=bound, dtype=jnp.float32)
    b = jnp.zeros((D_OUT,), dtype=jnp.float32)
    return {"x": x, "edge_index": edge_index, "W": W, "b": b}


def reference(x, edge_index, W, b):
    num_nodes = x.shape[0]
    row = edge_index[0]
    col = edge_index[1]
    # scatter_add of neighbor features into destination nodes
    aggr = jax.ops.segment_sum(x[row], col, num_segments=num_nodes)
    # degree count (scatter_add of ones), clamped to >= 1
    deg = jax.ops.segment_sum(jnp.ones((col.shape[0],), dtype=x.dtype), col, num_segments=num_nodes)
    deg = jnp.clip(deg, 1.0, None)[:, None]
    aggr = aggr / deg
    out = jnp.concatenate([x, aggr], axis=-1)
    return out @ W.T + b

if __name__ == "__main__":
    import jax
    _d = setup_inputs()
    print(jax.jit(kernel)(*tuple(_d.values())))

</pallas_src>

<mosaic_0001>
#map = affine_map<(d0, d1) -> (0, 0)>
#map1 = affine_map<(d0, d1) -> (0)>
module attributes {stable_mosaic.version = 14 : i64} {
  func.func @agg_kernel(%arg0: i32, %arg1: i32, %arg2: memref<10000x128xf32, #tpu.memory_space<hbm>>, %arg3: memref<320000xi32, #tpu.memory_space<hbm>>, %arg4: memref<320000xi32, #tpu.memory_space<hbm>>, %arg5: memref<80x128xf32, #tpu.memory_space<hbm>>, %arg6: memref<20000x128xf32, #tpu.memory_space<hbm>>, %arg7: memref<32x10000xf32, #tpu.memory_space<hbm>>, %arg8: memref<80xi32, #tpu.memory_space<vmem>>, %arg9: memref<80xi32, #tpu.memory_space<vmem>>, %arg10: memref<80xi32, #tpu.memory_space<vmem>>, %arg11: memref<80xi32, #tpu.memory_space<vmem>>, %arg12: memref<80xi32, #tpu.memory_space<vmem>>, %arg13: memref<80xi32, #tpu.memory_space<vmem>>, %arg14: memref<80x128xf32, #tpu.memory_space<vmem>>, %arg15: memref<80x128xf32, #tpu.memory_space<vmem>>, %arg16: memref<80x128xf32, #tpu.memory_space<vmem>>, %arg17: memref<10000xf32, #tpu.memory_space<vmem>>, %arg18: memref<10000x128xf32, #tpu.memory_space<vmem_shared>>, %arg19: memref<!tpu.dma_semaphore, #tpu.memory_space<semaphore_mem>>, %arg20: memref<!tpu.dma_semaphore, #tpu.memory_space<semaphore_mem>>, %arg21: memref<!tpu.dma_semaphore, #tpu.memory_space<semaphore_mem>>, %arg22: memref<!tpu.dma_semaphore, #tpu.memory_space<semaphore_mem>>, %arg23: memref<!tpu.dma_semaphore, #tpu.memory_space<semaphore_mem>>, %arg24: memref<!tpu.dma_semaphore, #tpu.memory_space<semaphore_mem>>, %arg25: memref<!tpu.dma_semaphore, #tpu.memory_space<semaphore_mem>>, %arg26: memref<!tpu.dma_semaphore, #tpu.memory_space<semaphore_mem>>, %arg27: memref<!tpu.dma_semaphore, #tpu.memory_space<semaphore_mem>>) attributes {dimension_semantics = [#tpu.dimension_semantics<core_parallel>, #tpu.dimension_semantics<subcore_parallel>], iteration_bounds = array<i64: 2, 16>, scalar_prefetch = 0 : i64, scratch_operands = 20 : i64, tpu.core_type = #tpu.core_type<sc_vector_subcore>, window_params = [{transform_indices = #map}, {transform_indices = #map1}, {transform_indices = #map1}, {transform_indices = #map}, {transform_indices = #map}, {transform_indices = #map}]} {
    %mul3A = arith.constant 16 : i32
    %mul3A_0 = arith.muli %arg0, %mul3A : i32
    %add3A = arith.addi %mul3A_0, %arg1 : i32
    %scan3A = arith.constant 0 : i32
    %scan3A_1 = arith.constant 8 : i32
    %scan3A_2 = arith.addi %scan3A, %scan3A_1 : i32
    %scan3A_3 = arith.constant 1 : i32
    scf.for %scan3A_81 = %scan3A to %scan3A_2 step %scan3A_3  : i32 {
      %mul3A_82 = arith.constant 1 : i32
      %mul3A_83 = arith.muli %scan3A_81, %mul3A_82 : i32
      %add3A_84 = arith.constant 0 : i32
      %add3A_85 = arith.addi %add3A_84, %mul3A_83 : i32
      %mul3A_86 = arith.constant 16 : i32
      %mul3A_87 = arith.muli %add3A_85, %mul3A_86 : i32
      %add3A_88 = arith.addi %arg1, %mul3A_87 : i32
      %lt3A = arith.constant 125 : i32
      %lt3A_89 = arith.cmpi slt, %add3A_88, %lt3A : i32
      %convert_element_type3A = arith.extui %lt3A_89 : i1 to i32
      %cond3A = arith.constant 0 : i32
      %cond3A_90 = arith.cmpi ne, %convert_element_type3A, %cond3A : i32
      scf.if %cond3A_90 {
        %mul3A_91 = arith.constant 80 : i32
        %mul3A_92 = arith.muli %add3A_88, %mul3A_91 : i32
        "tpu.region"() ({
          %run_scoped3A = tpu.sem_alloc : memref<!tpu.dma_semaphore, #tpu.memory_space<semaphore_mem>>
          %dma_start3A_93 = arith.constant 0 : i32
          %dma_start3A_94 = tpu.memref_slice %arg18[%mul3A_92, %dma_start3A_93] : memref<10000x128xf32, #tpu.memory_space<vmem_shared>> -> memref<80x128xf32, #tpu.memory_space<vmem_shared>>
          tpu.enqueue_dma source(%arg5 : memref<80x128xf32, #tpu.memory_space<hbm>>) target(%dma_start3A_94 : memref<80x128xf32, #tpu.memory_space<vmem_shared>>) target_semaphore(%run_scoped3A : memref<!tpu.dma_semaphore, #tpu.memory_space<semaphore_mem>>)
          %dma_wait3A_95 = arith.constant 0 : i32
          %dma_wait3A_96 = tpu.memref_slice %arg18[%mul3A_92, %dma_wait3A_95] : memref<10000x128xf32, #tpu.memory_space<vmem_shared>> -> memref<80x128xf32, #tpu.memory_space<vmem_shared>>
          tpu.wait_dma2 semaphore(%run_scoped3A : memref<!tpu.dma_semaphore, #tpu.memory_space<semaphore_mem>>) src(%arg5 : memref<80x128xf32, #tpu.memory_space<hbm>>) dst(%dma_wait3A_96 : memref<80x128xf32, #tpu.memory_space<vmem_shared>>)
          tpu.yield
        }) : () -> ()
      } else {
      }
    }
    %scan3A_4 = arith.constant 8 : i32
    %scan3A_5 = arith.constant 0 : i32
    %scan3A_6 = arith.constant 625 : i32
    %scan3A_7 = arith.addi %scan3A_5, %scan3A_6 : i32
    %scan3A_8 = arith.constant 1 : i32
    scf.for %scan3A_81 = %scan3A_5 to %scan3A_7 step %scan3A_8  : i32 {
      %mul3A_82 = arith.constant 16 : i32
      %mul3A_83 = arith.muli %scan3A_81, %mul3A_82 : i32
      %add3A_84 = arith.constant 0 : i32
      %add3A_85 = arith.addi %add3A_84, %mul3A_83 : i32
      %broadcast_in_dim3A_86 = arith.constant 0.000000e+00 : f32
      %broadcast_in_dim3A_87 = vector.broadcast %broadcast_in_dim3A_86 : f32 to vector<16xf32>
      %swap3A = arith.index_cast %add3A_85 : i32 to index
      %swap3A_88 = tpu.vector_load %arg17[%swap3A] {strides = array<i32>} : memref<10000xf32, #tpu.memory_space<vmem>>, vector<16xf32>,
      tpu.vector_store %arg17[%swap3A], %broadcast_in_dim3A_87 {strides = array<i32>} : memref<10000xf32, #tpu.memory_space<vmem>>, vector<16xf32>,
    }
    %scan3A_9 = arith.constant 625 : i32
    %barrier3A = arith.constant 0 : index
    tpu.barrier barrier_id(%barrier3A)
    %mul3A_10 = arith.constant 10000 : i32
    %mul3A_11 = arith.muli %add3A, %mul3A_10 : i32
    %broadcast_in_dim3A = arith.constant 1.000000e+00 : f32
    %broadcast_in_dim3A_12 = vector.broadcast %broadcast_in_dim3A : f32 to vector<16xf32>
    %add3A_13 = arith.constant 0 : i32
    %add3A_14 = arith.addi %mul3A_11, %add3A_13 : i32
    %dma_start3A = tpu.memref_slice %arg3[%add3A_14] : memref<320000xi32, #tpu.memory_space<hbm>> -> memref<80xi32, #tpu.memory_space<hbm>>
    %dma_start3A_15 = tpu.memref_slice %arg3[%add3A_14] : memref<320000xi32, #tpu.memory_space<hbm>> -> memref<80xi32, #tpu.memory_space<hbm>>
    tpu.enqueue_dma source(%dma_start3A_15 : memref<80xi32, #tpu.memory_space<hbm>>) target(%arg8 : memref<80xi32, #tpu.memory_space<vmem>>) target_semaphore(%arg19 : memref<!tpu.dma_semaphore, #tpu.memory_space<semaphore_mem>>)
    %add3A_16 = arith.constant 0 : i32
    %add3A_17 = arith.addi %mul3A_11, %add3A_16 : i32
    %dma_start3A_18 = tpu.memref_slice %arg4[%add3A_17] : memref<320000xi32, #tpu.memory_space<hbm>> -> memref<80xi32, #tpu.memory_space<hbm>>
    %dma_start3A_19 = tpu.memref_slice %arg4[%add3A_17] : memref<320000xi32, #tpu.memory_space<hbm>> -> memref<80xi32, #tpu.memory_space<hbm>>
    tpu.enqueue_dma source(%dma_start3A_19 : memref<80xi32, #tpu.memory_space<hbm>>) target(%arg11 : memref<80xi32, #tpu.memory_space<vmem>>) target_semaphore(%arg22 : memref<!tpu.dma_semaphore, #tpu.memory_space<semaphore_mem>>)
    %add3A_20 = arith.constant 80 : i32
    %add3A_21 = arith.addi %mul3A_11, %add3A_20 : i32
    %dma_start3A_22 = tpu.memref_slice %arg3[%add3A_21] : memref<320000xi32, #tpu.memory_space<hbm>> -> memref<80xi32, #tpu.memory_space<hbm>>
    %dma_start3A_23 = tpu.memref_slice %arg3[%add3A_21] : memref<320000xi32, #tpu.memory_space<hbm>> -> memref<80xi32, #tpu.memory_space<hbm>>
    tpu.enqueue_dma source(%dma_start3A_23 : memref<80xi32, #tpu.memory_space<hbm>>) target(%arg9 : memref<80xi32, #tpu.memory_space<vmem>>) target_semaphore(%arg20 : memref<!tpu.dma_semaphore, #tpu.memory_space<semaphore_mem>>)
    %add3A_24 = arith.constant 80 : i32
    %add3A_25 = arith.addi %mul3A_11, %add3A_24 : i32
    %dma_start3A_26 = tpu.memref_slice %arg4[%add3A_25] : memref<320000xi32, #tpu.memory_space<hbm>> -> memref<80xi32, #tpu.memory_space<hbm>>
    %dma_start3A_27 = tpu.memref_slice %arg4[%add3A_25] : memref<320000xi32, #tpu.memory_space<hbm>> -> memref<80xi32, #tpu.memory_space<hbm>>
    tpu.enqueue_dma source(%dma_start3A_27 : memref<80xi32, #tpu.memory_space<hbm>>) target(%arg12 : memref<80xi32, #tpu.memory_space<vmem>>) target_semaphore(%arg23 : memref<!tpu.dma_semaphore, #tpu.memory_space<semaphore_mem>>)
    %add3A_28 = arith.constant 160 : i32
    %add3A_29 = arith.addi %mul3A_11, %add3A_28 : i32
    %dma_start3A_30 = tpu.memref_slice %arg3[%add3A_29] : memref<320000xi32, #tpu.memory_space<hbm>> -> memref<80xi32, #tpu.memory_space<hbm>>
    %dma_start3A_31 = tpu.memref_slice %arg3[%add3A_29] : memref<320000xi32, #tpu.memory_space<hbm>> -> memref<80xi32, #tpu.memory_space<hbm>>
    tpu.enqueue_dma source(%dma_start3A_31 : memref<80xi32, #tpu.memory_space<hbm>>) target(%arg10 : memref<80xi32, #tpu.memory_space<vmem>>) target_semaphore(%arg21 : memref<!tpu.dma_semaphore, #tpu.memory_space<semaphore_mem>>)
    %add3A_32 = arith.constant 160 : i32
    %add3A_33 = arith.addi %mul3A_11, %add3A_32 : i32
    %dma_start3A_34 = tpu.memref_slice %arg4[%add3A_33] : memref<320000xi32, #tpu.memory_space<hbm>> -> memref<80xi32, #tpu.memory_space<hbm>>
    %dma_start3A_35 = tpu.memref_slice %arg4[%add3A_33] : memref<320000xi32, #tpu.memory_space<hbm>> -> memref<80xi32, #tpu.memory_space<hbm>>
    tpu.enqueue_dma source(%dma_start3A_35 : memref<80xi32, #tpu.memory_space<hbm>>) target(%arg13 : memref<80xi32, #tpu.memory_space<vmem>>) target_semaphore(%arg24 : memref<!tpu.dma_semaphore, #tpu.memory_space<semaphore_mem>>)
    %dma_wait3A = tpu.memref_slice %arg3[%mul3A_11] : memref<320000xi32, #tpu.memory_space<hbm>> -> memref<80xi32, #tpu.memory_space<hbm>>
    %dma_wait3A_36 = tpu.memref_slice %arg3[%mul3A_11] : memref<320000xi32, #tpu.memory_space<hbm>> -> memref<80xi32, #tpu.memory_space<hbm>>
    tpu.wait_dma2 semaphore(%arg19 : memref<!tpu.dma_semaphore, #tpu.memory_space<semaphore_mem>>) src(%dma_wait3A_36 : memref<80xi32, #tpu.memory_space<hbm>>) dst(%arg8 : memref<80xi32, #tpu.memory_space<vmem>>)
    %dma_start3A_37 = arith.constant 0 : i32
    %dma_start3A_38 = arith.constant 0 : i32
    %dma_start3A_39 = tpu.memref_slice %arg2[%dma_start3A_37, %dma_start3A_38] : memref<10000x128xf32, #tpu.memory_space<hbm>> -> memref<10000x128xf32, #tpu.memory_space<hbm>>
    tpu.enqueue_indirect_dma source(%dma_start3A_39 : memref<10000x128xf32, #tpu.memory_space<hbm>>) target(%arg14 : memref<80x128xf32, #tpu.memory_space<vmem>>) offsets(%arg8 : memref<80xi32, #tpu.memory_space<vmem>>) semaphore(%arg25 : memref<!tpu.dma_semaphore, #tpu.memory_space<semaphore_mem>>)
    %dma_wait3A_40 = tpu.memref_slice %arg3[%mul3A_11] : memref<320000xi32, #tpu.memory_space<hbm>> -> memref<80xi32, #tpu.memory_space<hbm>>
    %dma_wait3A_41 = tpu.memref_slice %arg3[%mul3A_11] : memref<320000xi32, #tpu.memory_space<hbm>> -> memref<80xi32, #tpu.memory_space<hbm>>
    tpu.wait_dma2 semaphore(%arg20 : memref<!tpu.dma_semaphore, #tpu.memory_space<semaphore_mem>>) src(%dma_wait3A_41 : memref<80xi32, #tpu.memory_space<hbm>>) dst(%arg9 : memref<80xi32, #tpu.memory_space<vmem>>)
    %dma_start3A_42 = arith.constant 0 : i32
    %dma_start3A_43 = arith.constant 0 : i32
    %dma_start3A_44 = tpu.memref_slice %arg2[%dma_start3A_42, %dma_start3A_43] : memref<10000x128xf32, #tpu.memory_space<hbm>> -> memref<10000x128xf32, #tpu.memory_space<hbm>>
    tpu.enqueue_indirect_dma source(%dma_start3A_44 : memref<10000x128xf32, #tpu.memory_space<hbm>>) target(%arg15 : memref<80x128xf32, #tpu.memory_space<vmem>>) offsets(%arg9 : memref<80xi32, #tpu.memory_space<vmem>>) semaphore(%arg26 : memref<!tpu.dma_semaphore, #tpu.memory_space<semaphore_mem>>)
    %dma_wait3A_45 = tpu.memref_slice %arg3[%mul3A_11] : memref<320000xi32, #tpu.memory_space<hbm>> -> memref<80xi32, #tpu.memory_space<hbm>>
    %dma_wait3A_46 = tpu.memref_slice %arg3[%mul3A_11] : memref<320000xi32, #tpu.memory_space<hbm>> -> memref<80xi32, #tpu.memory_space<hbm>>
    tpu.wait_dma2 semaphore(%arg21 : memref<!tpu.dma_semaphore, #tpu.memory_space<semaphore_mem>>) src(%dma_wait3A_46 : memref<80xi32, #tpu.memory_space<hbm>>) dst(%arg10 : memref<80xi32, #tpu.memory_space<vmem>>)
    %dma_start3A_47 = arith.constant 0 : i32
    %dma_start3A_48 = arith.constant 0 : i32
    %dma_start3A_49 = tpu.memref_slice %arg2[%dma_start3A_47, %dma_start3A_48] : memref<10000x128xf32, #tpu.memory_space<hbm>> -> memref<10000x128xf32, #tpu.memory_space<hbm>>
    tpu.enqueue_indirect_dma source(%dma_start3A_49 : memref<10000x128xf32, #tpu.memory_space<hbm>>) target(%arg16 : memref<80x128xf32, #tpu.memory_space<vmem>>) offsets(%arg10 : memref<80xi32, #tpu.memory_space<vmem>>) semaphore(%arg27 : memref<!tpu.dma_semaphore, #tpu.memory_space<semaphore_mem>>)
    %scan3A_50 = arith.constant 0 : i32
    %scan3A_51 = arith.constant 41 : i32
    %scan3A_52 = arith.addi %scan3A_50, %scan3A_51 : i32
    %scan3A_53 = arith.constant 1 : i32
    scf.for %scan3A_81 = %scan3A_50 to %scan3A_52 step %scan3A_53  : i32 {
      %mul3A_82 = arith.constant 3 : i32
      %mul3A_83 = arith.muli %scan3A_81, %mul3A_82 : i32
      %add3A_84 = arith.constant 0 : i32
      %add3A_85 = arith.addi %add3A_84, %mul3A_83 : i32
      %add3A_86 = arith.constant 0 : i32
      %add3A_87 = arith.addi %add3A_85, %add3A_86 : i32
      %add3A_88 = arith.constant 3 : i32
      %add3A_89 = arith.addi %add3A_87, %add3A_88 : i32
      %dma_wait3A_90 = arith.constant 0 : i32
      %dma_wait3A_91 = arith.constant 0 : i32
      %dma_wait3A_92 = tpu.memref_slice %arg2[%dma_wait3A_90, %dma_wait3A_91] : memref<10000x128xf32, #tpu.memory_space<hbm>> -> memref<10000x128xf32, #tpu.memory_space<hbm>>
      tpu.wait_indirect_dma semaphore(%arg25 : memref<!tpu.dma_semaphore, #tpu.memory_space<semaphore_mem>>) src(%dma_wait3A_92 : memref<10000x128xf32, #tpu.memory_space<hbm>>) dst(%arg14 : memref<80x128xf32, #tpu.memory_space<vmem>>)
      %lt3A = arith.constant 125 : i32
      %lt3A_93 = arith.cmpi slt, %add3A_89, %lt3A : i32
      %convert_element_type3A = arith.extui %lt3A_93 : i1 to i32
      %cond3A = arith.constant 0 : i32
      %cond3A_94 = arith.cmpi ne, %convert_element_type3A, %cond3A : i32
      scf.if %cond3A_94 {
        %mul3A_155 = arith.constant 80 : i32
        %mul3A_156 = arith.muli %add3A_89, %mul3A_155 : i32
        %add3A_157 = arith.addi %mul3A_11, %mul3A_156 : i32
        %dma_start3A_158 = tpu.memref_slice %arg3[%add3A_157] : memref<320000xi32, #tpu.memory_space<hbm>> -> memref<80xi32, #tpu.memory_space<hbm>>
        %dma_start3A_159 = tpu.memref_slice %arg3[%add3A_157] : memref<320000xi32, #tpu.memory_space<hbm>> -> memref<80xi32, #tpu.memory_space<hbm>>
        tpu.enqueue_dma source(%dma_start3A_159 : memref<80xi32, #tpu.memory_space<hbm>>) target(%arg8 : memref<80xi32, #tpu.memory_space<vmem>>) target_semaphore(%arg19 : memref<!tpu.dma_semaphore, #tpu.memory_space<semaphore_mem>>)
      } else {
      }
      %dma_wait3A_95 = tpu.memref_slice %arg4[%mul3A_11] : memref<320000xi32, #tpu.memory_space<hbm>> -> memref<80xi32, #tpu.memory_space<hbm>>
      %dma_wait3A_96 = tpu.memref_slice %arg4[%mul3A_11] : memref<320000xi32, #tpu.memory_space<hbm>> -> memref<80xi32, #tpu.memory_space<hbm>>
      tpu.wait_dma2 semaphore(%arg22 : memref<!tpu.dma_semaphore, #tpu.memory_space<semaphore_mem>>) src(%dma_wait3A_96 : memref<80xi32, #tpu.memory_space<hbm>>) dst(%arg11 : memref<80xi32, #tpu.memory_space<vmem>>)
      "tpu.region"() ({
        %run_scoped3A = tpu.sem_alloc : memref<!tpu.dma_semaphore, #tpu.memory_space<semaphore_mem>>
        %dma_start3A_155 = arith.constant 0 : i32
        %dma_start3A_156 = arith.constant 0 : i32
        %dma_start3A_157 = tpu.memref_slice %arg18[%dma_start3A_155, %dma_start3A_156] : memref<10000x128xf32, #tpu.memory_space<vmem_shared>> -> memref<10000x128xf32, #tpu.memory_space<vmem_shared>>
        tpu.enqueue_indirect_dma source(%arg14 : memref<80x128xf32, #tpu.memory_space<vmem>>) target(%dma_start3A_157 : memref<10000x128xf32, #tpu.memory_space<vmem_shared>>) offsets(%arg11 : memref<80xi32, #tpu.memory_space<vmem>>) semaphore(%run_scoped3A : memref<!tpu.dma_semaphore, #tpu.memory_space<semaphore_mem>>) {add = true}
        %dma_wait3A_158 = arith.constant 0 : i32
        %dma_wait3A_159 = arith.constant 0 : i32
        %dma_wait3A_160 = tpu.memref_slice %arg18[%dma_wait3A_158, %dma_wait3A_159] : memref<10000x128xf32, #tpu.memory_space<vmem_shared>> -> memref<10000x128xf32, #tpu.memory_space<vmem_shared>>
        tpu.wait_indirect_dma semaphore(%run_scoped3A : memref<!tpu.dma_semaphore, #tpu.memory_space<semaphore_mem>>) src(%arg14 : memref<80x128xf32, #tpu.memory_space<vmem>>) dst(%dma_wait3A_160 : memref<10000x128xf32, #tpu.memory_space<vmem_shared>>)
        tpu.yield
      }) : () -> ()
      %scan3A_97 = arith.constant 0 : i32
      %scan3A_98 = arith.constant 5 : i32
      %scan3A_99 = arith.addi %scan3A_97, %scan3A_98 : i32
      %scan3A_100 = arith.constant 1 : i32
      scf.for %scan3A_155 = %scan3A_97 to %scan3A_99 step %scan3A_100  : i32 {
        %mul3A_156 = arith.constant 16 : i32
        %mul3A_157 = arith.muli %scan3A_155, %mul3A_156 : i32
        %add3A_158 = arith.constant 0 : i32
        %add3A_159 = arith.addi %add3A_158, %mul3A_157 : i32
        %get3A = arith.index_cast %add3A_159 : i32 to index
        %get3A_160 = tpu.vector_load %arg11[%get3A] {strides = array<i32>} : memref<80xi32, #tpu.memory_space<vmem>>, vector<16xi32>,
        tpu.vector_store_idx %arg17[%get3A_160], %broadcast_in_dim3A_12 {add = true} : memref<10000xf32, #tpu.memory_space<vmem>>[vector<16xi32>], vector<16xf32>,
      }
      %scan3A_101 = arith.constant 5 : i32
      %lt3A_102 = arith.constant 125 : i32
      %lt3A_103 = arith.cmpi slt, %add3A_89, %lt3A_102 : i32
      %convert_element_type3A_104 = arith.extui %lt3A_103 : i1 to i32
      %cond3A_105 = arith.constant 0 : i32
      %cond3A_106 = arith.cmpi ne, %convert_element_type3A_104, %cond3A_105 : i32
      scf.if %cond3A_106 {
        %mul3A_155 = arith.constant 80 : i32
        %mul3A_156 = arith.muli %add3A_89, %mul3A_155 : i32
        %add3A_157 = arith.addi %mul3A_11, %mul3A_156 : i32
        %dma_start3A_158 = tpu.memref_slice %arg4[%add3A_157] : memref<320000xi32, #tpu.memory_space<hbm>> -> memref<80xi32, #tpu.memory_space<hbm>>
        %dma_start3A_159 = tpu.memref_slice %arg4[%add3A_157] : memref<320000xi32, #tpu.memory_space<hbm>> -> memref<80xi32, #tpu.memory_space<hbm>>
        tpu.enqueue_dma source(%dma_start3A_159 : memref<80xi32, #tpu.memory_space<hbm>>) target(%arg11 : memref<80xi32, #tpu.memory_space<vmem>>) target_semaphore(%arg22 : memref<!tpu.dma_semaphore, #tpu.memory_space<semaphore_mem>>)
        %dma_wait3A_160 = tpu.memref_slice %arg3[%mul3A_11] : memref<320000xi32, #tpu.memory_space<hbm>> -> memref<80xi32, #tpu.memory_space<hbm>>
        %dma_wait3A_161 = tpu.memref_slice %arg3[%mul3A_11] : memref<320000xi32, #tpu.memory_space<hbm>> -> memref<80xi32, #tpu.memory_space<hbm>>
        tpu.wait_dma2 semaphore(%arg19 : memref<!tpu.dma_semaphore, #tpu.memory_space<semaphore_mem>>) src(%dma_wait3A_161 : memref<80xi32, #tpu.memory_space<hbm>>) dst(%arg8 : memref<80xi32, #tpu.memory_space<vmem>>)
        %dma_start3A_162 = arith.constant 0 : i32
        %dma_start3A_163 = arith.constant 0 : i32
        %dma_start3A_164 = tpu.memref_slice %arg2[%dma_start3A_162, %dma_start3A_163] : memref<10000x128xf32, #tpu.memory_space<hbm>> -> memref<10000x128xf32, #tpu.memory_space<hbm>>
        tpu.enqueue_indirect_dma source(%dma_start3A_164 : memref<10000x128xf32, #tpu.memory_space<hbm>>) target(%arg14 : memref<80x128xf32, #tpu.memory_space<vmem>>) offsets(%arg8 : memref<80xi32, #tpu.memory_space<vmem>>) semaphore(%arg25 : memref<!tpu.dma_semaphore, #tpu.memory_space<semaphore_mem>>)
      } else {
      }
      %add3A_107 = arith.constant 1 : i32
      %add3A_108 = arith.addi %add3A_85, %add3A_107 : i32
      %add3A_109 = arith.constant 3 : i32
      %add3A_110 = arith.addi %add3A_108, %add3A_109 : i32
      %dma_wait3A_111 = arith.constant 0 : i32
      %dma_wait3A_112 = arith.constant 0 : i32
      %dma_wait3A_113 = tpu.memref_slice %arg2[%dma_wait3A_111, %dma_wait3A_112] : memref<10000x128xf32, #tpu.memory_space<hbm>> -> memref<10000x128xf32, #tpu.memory_space<hbm>>
      tpu.wait_indirect_dma semaphore(%arg26 : memref<!tpu.dma_semaphore, #tpu.memory_space<semaphore_mem>>) src(%dma_wait3A_113 : memref<10000x128xf32, #tpu.memory_space<hbm>>) dst(%arg15 : memref<80x128xf32, #tpu.memory_space<vmem>>)
      %lt3A_114 = arith.constant 125 : i32
      %lt3A_115 = arith.cmpi slt, %add3A_110, %lt3A_114 : i32
      %convert_element_type3A_116 = arith.extui %lt3A_115 : i1 to i32
      %cond3A_117 = arith.constant 0 : i32
      %cond3A_118 = arith.cmpi ne, %convert_element_type3A_116, %cond3A_117 : i32
      scf.if %cond3A_118 {
        %mul3A_155 = arith.constant 80 : i32
        %mul3A_156 = arith.muli %add3A_110, %mul3A_155 : i32
        %add3A_157 = arith.addi %mul3A_11, %mul3A_156 : i32
        %dma_start3A_158 = tpu.memref_slice %arg3[%add3A_157] : memref<320000xi32, #tpu.memory_space<hbm>> -> memref<80xi32, #tpu.memory_space<hbm>>
        %dma_start3A_159 = tpu.memref_slice %arg3[%add3A_157] : memref<320000xi32, #tpu.memory_space<hbm>> -> memref<80xi32, #tpu.memory_space<hbm>>
        tpu.enqueue_dma source(%dma_start3A_159 : memref<80xi32, #tpu.memory_space<hbm>>) target(%arg9 : memref<80xi32, #tpu.memory_space<vmem>>) target_semaphore(%arg20 : memref<!tpu.dma_semaphore, #tpu.memory_space<semaphore_mem>>)
      } else {
      }
      %dma_wait3A_119 = tpu.memref_slice %arg4[%mul3A_11] : memref<320000xi32, #tpu.memory_space<hbm>> -> memref<80xi32, #tpu.memory_space<hbm>>
      %dma_wait3A_120 = tpu.memref_slice %arg4[%mul3A_11] : memref<320000xi32, #tpu.memory_space<hbm>> -> memref<80xi32, #tpu.memory_space<hbm>>
      tpu.wait_dma2 semaphore(%arg23 : memref<!tpu.dma_semaphore, #tpu.memory_space<semaphore_mem>>) src(%dma_wait3A_120 : memref<80xi32, #tpu.memory_space<hbm>>) dst(%arg12 : memref<80xi32, #tpu.memory_space<vmem>>)
      "tpu.region"() ({
        %run_scoped3A = tpu.sem_alloc : memref<!tpu.dma_semaphore, #tpu.memory_space<semaphore_mem>>
        %dma_start3A_155 = arith.constant 0 : i32
        %dma_start3A_156 = arith.constant 0 : i32
        %dma_start3A_157 = tpu.memref_slice %arg18[%dma_start3A_155, %dma_start3A_156] : memref<10000x128xf32, #tpu.memory_space<vmem_shared>> -> memref<10000x128xf32, #tpu.memory_space<vmem_shared>>
        tpu.enqueue_indirect_dma source(%arg15 : memref<80x128xf32, #tpu.memory_space<vmem>>) target(%dma_start3A_157 : memref<10000x128xf32, #tpu.memory_space<vmem_shared>>) offsets(%arg12 : memref<80xi32, #tpu.memory_space<vmem>>) semaphore(%run_scoped3A : memref<!tpu.dma_semaphore, #tpu.memory_space<semaphore_mem>>) {add = true}
        %dma_wait3A_158 = arith.constant 0 : i32
        %dma_wait3A_159 = arith.constant 0 : i32
        %dma_wait3A_160 = tpu.memref_slice %arg18[%dma_wait3A_158, %dma_wait3A_159] : memref<10000x128xf32, #tpu.memory_space<vmem_shared>> -> memref<10000x128xf32, #tpu.memory_space<vmem_shared>>
        tpu.wait_indirect_dma semaphore(%run_scoped3A : memref<!tpu.dma_semaphore, #tpu.memory_space<semaphore_mem>>) src(%arg15 : memref<80x128xf32, #tpu.memory_space<vmem>>) dst(%dma_wait3A_160 : memref<10000x128xf32, #tpu.memory_space<vmem_shared>>)
        tpu.yield
      }) : () -> ()
      %scan3A_121 = arith.constant 0 : i32
      %scan3A_122 = arith.constant 5 : i32
      %scan3A_123 = arith.addi %scan3A_121, %scan3A_122 : i32
      %scan3A_124 = arith.constant 1 : i32
      scf.for %scan3A_155 = %scan3A_121 to %scan3A_123 step %scan3A_124  : i32 {
        %mul3A_156 = arith.constant 16 : i32
        %mul3A_157 = arith.muli %scan3A_155, %mul3A_156 : i32
        %add3A_158 = arith.constant 0 : i32
        %add3A_159 = arith.addi %add3A_158, %mul3A_157 : i32
        %get3A = arith.index_cast %add3A_159 : i32 to index
        %get3A_160 = tpu.vector_load %arg12[%get3A] {strides = array<i32>} : memref<80xi32, #tpu.memory_space<vmem>>, vector<16xi32>,
        tpu.vector_store_idx %arg17[%get3A_160], %broadcast_in_dim3A_12 {add = true} : memref<10000xf32, #tpu.memory_space<vmem>>[vector<16xi32>], vector<16xf32>,
      }
      %scan3A_125 = arith.constant 5 : i32
      %lt3A_126 = arith.constant 125 : i32
      %lt3A_127 = arith.cmpi slt, %add3A_110, %lt3A_126 : i32
      %convert_element_type3A_128 = arith.extui %lt3A_127 : i1 to i32
      %cond3A_129 = arith.constant 0 : i32
      %cond3A_130 = arith.cmpi ne, %convert_element_type3A_128, %cond3A_129 : i32
      scf.if %cond3A_130 {
        %mul3A_155 = arith.constant 80 : i32
        %mul3A_156 = arith.muli %add3A_110, %mul3A_155 : i32
        %add3A_157 = arith.addi %mul3A_11, %mul3A_156 : i32
        %dma_start3A_158 = tpu.memref_slice %arg4[%add3A_157] : memref<320000xi32, #tpu.memory_space<hbm>> -> memref<80xi32, #tpu.memory_space<hbm>>
        %dma_start3A_159 = tpu.memref_slice %arg4[%add3A_157] : memref<320000xi32, #tpu.memory_space<hbm>> -> memref<80xi32, #tpu.memory_space<hbm>>
        tpu.enqueue_dma source(%dma_start3A_159 : memref<80xi32, #tpu.memory_space<hbm>>) target(%arg12 : memref<80xi32, #tpu.memory_space<vmem>>) target_semaphore(%arg23 : memref<!tpu.dma_semaphore, #tpu.memory_space<semaphore_mem>>)
        %dma_wait3A_160 = tpu.memref_slice %arg3[%mul3A_11] : memref<320000xi32, #tpu.memory_space<hbm>> -> memref<80xi32, #tpu.memory_space<hbm>>
        %dma_wait3A_161 = tpu.memref_slice %arg3[%mul3A_11] : memref<320000xi32, #tpu.memory_space<hbm>> -> memref<80xi32, #tpu.memory_space<hbm>>
        tpu.wait_dma2 semaphore(%arg20 : memref<!tpu.dma_semaphore, #tpu.memory_space<semaphore_mem>>) src(%dma_wait3A_161 : memref<80xi32, #tpu.memory_space<hbm>>) dst(%arg9 : memref<80xi32, #tpu.memory_space<vmem>>)
        %dma_start3A_162 = arith.constant 0 : i32
        %dma_start3A_163 = arith.constant 0 : i32
        %dma_start3A_164 = tpu.memref_slice %arg2[%dma_start3A_162, %dma_start3A_163] : memref<10000x128xf32, #tpu.memory_space<hbm>> -> memref<10000x128xf32, #tpu.memory_space<hbm>>
        tpu.enqueue_indirect_dma source(%dma_start3A_164 : memref<10000x128xf32, #tpu.memory_space<hbm>>) target(%arg15 : memref<80x128xf32, #tpu.memory_space<vmem>>) offsets(%arg9 : memref<80xi32, #tpu.memory_space<vmem>>) semaphore(%arg26 : memref<!tpu.dma_semaphore, #tpu.memory_space<semaphore_mem>>)
      } else {
      }
      %add3A_131 = arith.constant 2 : i32
      %add3A_132 = arith.addi %add3A_85, %add3A_131 : i32
      %add3A_133 = arith.constant 3 : i32
      %add3A_134 = arith.addi %add3A_132, %add3A_133 : i32
      %dma_wait3A_135 = arith.constant 0 : i32
      %dma_wait3A_136 = arith.constant 0 : i32
      %dma_wait3A_137 = tpu.memref_slice %arg2[%dma_wait3A_135, %dma_wait3A_136] : memref<10000x128xf32, #tpu.memory_space<hbm>> -> memref<10000x128xf32, #tpu.memory_space<hbm>>
      tpu.wait_indirect_dma semaphore(%arg27 : memref<!tpu.dma_semaphore, #tpu.memory_space<semaphore_mem>>) src(%dma_wait3A_137 : memref<10000x128xf32, #tpu.memory_space<hbm>>) dst(%arg16 : memref<80x128xf32, #tpu.memory_space<vmem>>)
      %lt3A_138 = arith.constant 125 : i32
      %lt3A_139 = arith.cmpi slt, %add3A_134, %lt3A_138 : i32
      %convert_element_type3A_140 = arith.extui %lt3A_139 : i1 to i32
      %cond3A_141 = arith.constant 0 : i32
      %cond3A_142 = arith.cmpi ne, %convert_element_type3A_140, %cond3A_141 : i32
      scf.if %cond3A_142 {
        %mul3A_155 = arith.constant 80 : i32
        %mul3A_156 = arith.muli %add3A_134, %mul3A_155 : i32
        %add3A_157 = arith.addi %mul3A_11, %mul3A_156 : i32
        %dma_start3A_158 = tpu.memref_slice %arg3[%add3A_157] : memref<320000xi32, #tpu.memory_space<hbm>> -> memref<80xi32, #tpu.memory_space<hbm>>
        %dma_start3A_159 = tpu.memref_slice %arg3[%add3A_157] : memref<320000xi32, #tpu.memory_space<hbm>> -> memref<80xi32, #tpu.memory_space<hbm>>
        tpu.enqueue_dma source(%dma_start3A_159 : memref<80xi32, #tpu.memory_space<hbm>>) target(%arg10 : memref<80xi32, #tpu.memory_space<vmem>>) target_semaphore(%arg21 : memref<!tpu.dma_semaphore, #tpu.memory_space<semaphore_mem>>)
      } else {
      }
      %dma_wait3A_143 = tpu.memref_slice %arg4[%mul3A_11] : memref<320000xi32, #tpu.memory_space<hbm>> -> memref<80xi32, #tpu.memory_space<hbm>>
      %dma_wait3A_144 = tpu.memref_slice %arg4[%mul3A_11] : memref<320000xi32, #tpu.memory_space<hbm>> -> memref<80xi32, #tpu.memory_space<hbm>>
      tpu.wait_dma2 semaphore(%arg24 : memref<!tpu.dma_semaphore, #tpu.memory_space<semaphore_mem>>) src(%dma_wait3A_144 : memref<80xi32, #tpu.memory_space<hbm>>) dst(%arg13 : memref<80xi32, #tpu.memory_space<vmem>>)
      "tpu.region"() ({
        %run_scoped3A = tpu.sem_alloc : memref<!tpu.dma_semaphore, #tpu.memory_space<semaphore_mem>>
        %dma_start3A_155 = arith.constant 0 : i32
        %dma_start3A_156 = arith.constant 0 : i32
        %dma_start3A_157 = tpu.memref_slice %arg18[%dma_start3A_155, %dma_start3A_156] : memref<10000x128xf32, #tpu.memory_space<vmem_shared>> -> memref<10000x128xf32, #tpu.memory_space<vmem_shared>>
        tpu.enqueue_indirect_dma source(%arg16 : memref<80x128xf32, #tpu.memory_space<vmem>>) target(%dma_start3A_157 : memref<10000x128xf32, #tpu.memory_space<vmem_shared>>) offsets(%arg13 : memref<80xi32, #tpu.memory_space<vmem>>) semaphore(%run_scoped3A : memref<!tpu.dma_semaphore, #tpu.memory_space<semaphore_mem>>) {add = true}
        %dma_wait3A_158 = arith.constant 0 : i32
        %dma_wait3A_159 = arith.constant 0 : i32
        %dma_wait3A_160 = tpu.memref_slice %arg18[%dma_wait3A_158, %dma_wait3A_159] : memref<10000x128xf32, #tpu.memory_space<vmem_shared>> -> memref<10000x128xf32, #tpu.memory_space<vmem_shared>>
        tpu.wait_indirect_dma semaphore(%run_scoped3A : memref<!tpu.dma_semaphore, #tpu.memory_space<semaphore_mem>>) src(%arg16 : memref<80x128xf32, #tpu.memory_space<vmem>>) dst(%dma_wait3A_160 : memref<10000x128xf32, #tpu.memory_space<vmem_shared>>)
        tpu.yield
      }) : () -> ()
      %scan3A_145 = arith.constant 0 : i32
      %scan3A_146 = arith.constant 5 : i32
      %scan3A_147 = arith.addi %scan3A_145, %scan3A_146 : i32
      %scan3A_148 = arith.constant 1 : i32
      scf.for %scan3A_155 = %scan3A_145 to %scan3A_147 step %scan3A_148  : i32 {
        %mul3A_156 = arith.constant 16 : i32
        %mul3A_157 = arith.muli %scan3A_155, %mul3A_156 : i32
        %add3A_158 = arith.constant 0 : i32
        %add3A_159 = arith.addi %add3A_158, %mul3A_157 : i32
        %get3A = arith.index_cast %add3A_159 : i32 to index
        %get3A_160 = tpu.vector_load %arg13[%get3A] {strides = array<i32>} : memref<80xi32, #tpu.memory_space<vmem>>, vector<16xi32>,
        tpu.vector_store_idx %arg17[%get3A_160], %broadcast_in_dim3A_12 {add = true} : memref<10000xf32, #tpu.memory_space<vmem>>[vector<16xi32>], vector<16xf32>,
      }
      %scan3A_149 = arith.constant 5 : i32
      %lt3A_150 = arith.constant 125 : i32
      %lt3A_151 = arith.cmpi slt, %add3A_134, %lt3A_150 : i32
      %convert_element_type3A_152 = arith.extui %lt3A_151 : i1 to i32
      %cond3A_153 = arith.constant 0 : i32
      %cond3A_154 = arith.cmpi ne, %convert_element_type3A_152, %cond3A_153 : i32
      scf.if %cond3A_154 {
        %mul3A_155 = arith.constant 80 : i32
        %mul3A_156 = arith.muli %add3A_134, %mul3A_155 : i32
        %add3A_157 = arith.addi %mul3A_11, %mul3A_156 : i32
        %dma_start3A_158 = tpu.memref_slice %arg4[%add3A_157] : memref<320000xi32, #tpu.memory_space<hbm>> -> memref<80xi32, #tpu.memory_space<hbm>>
        %dma_start3A_159 = tpu.memref_slice %arg4[%add3A_157] : memref<320000xi32, #tpu.memory_space<hbm>> -> memref<80xi32, #tpu.memory_space<hbm>>
        tpu.enqueue_dma source(%dma_start3A_159 : memref<80xi32, #tpu.memory_space<hbm>>) target(%arg13 : memref<80xi32, #tpu.memory_space<vmem>>) target_semaphore(%arg24 : memref<!tpu.dma_semaphore, #tpu.memory_space<semaphore_mem>>)
        %dma_wait3A_160 = tpu.memref_slice %arg3[%mul3A_11] : memref<320000xi32, #tpu.memory_space<hbm>> -> memref<80xi32, #tpu.memory_space<hbm>>
        %dma_wait3A_161 = tpu.memref_slice %arg3[%mul3A_11] : memref<320000xi32, #tpu.memory_space<hbm>> -> memref<80xi32, #tpu.memory_space<hbm>>
        tpu.wait_dma2 semaphore(%arg21 : memref<!tpu.dma_semaphore, #tpu.memory_space<semaphore_mem>>) src(%dma_wait3A_161 : memref<80xi32, #tpu.memory_space<hbm>>) dst(%arg10 : memref<80xi32, #tpu.memory_space<vmem>>)
        %dma_start3A_162 = arith.constant 0 : i32
        %dma_start3A_163 = arith.constant 0 : i32
        %dma_start3A_164 = tpu.memref_slice %arg2[%dma_start3A_162, %dma_start3A_163] : memref<10000x128xf32, #tpu.memory_space<hbm>> -> memref<10000x128xf32, #tpu.memory_space<hbm>>
        tpu.enqueue_indirect_dma source(%dma_start3A_164 : memref<10000x128xf32, #tpu.memory_space<hbm>>) target(%arg16 : memref<80x128xf32, #tpu.memory_space<vmem>>) offsets(%arg10 : memref<80xi32, #tpu.memory_space<vmem>>) semaphore(%arg27 : memref<!tpu.dma_semaphore, #tpu.memory_space<semaphore_mem>>)
      } else {
      }
    }
    %scan3A_54 = arith.constant 41 : i32
    %dma_wait3A_55 = arith.constant 0 : i32
    %dma_wait3A_56 = arith.constant 0 : i32
    %dma_wait3A_57 = tpu.memref_slice %arg2[%dma_wait3A_55, %dma_wait3A_56] : memref<10000x128xf32, #tpu.memory_space<hbm>> -> memref<10000x128xf32, #tpu.memory_space<hbm>>
    tpu.wait_indirect_dma semaphore(%arg25 : memref<!tpu.dma_semaphore, #tpu.memory_space<semaphore_mem>>) src(%dma_wait3A_57 : memref<10000x128xf32, #tpu.memory_space<hbm>>) dst(%arg14 : memref<80x128xf32, #tpu.memory_space<vmem>>)
    %dma_wait3A_58 = tpu.memref_slice %arg4[%mul3A_11] : memref<320000xi32, #tpu.memory_space<hbm>> -> memref<80xi32, #tpu.memory_space<hbm>>
    %dma_wait3A_59 = tpu.memref_slice %arg4[%mul3A_11] : memref<320000xi32, #tpu.memory_space<hbm>> -> memref<80xi32, #tpu.memory_space<hbm>>
    tpu.wait_dma2 semaphore(%arg22 : memref<!tpu.dma_semaphore, #tpu.memory_space<semaphore_mem>>) src(%dma_wait3A_59 : memref<80xi32, #tpu.memory_space<hbm>>) dst(%arg11 : memref<80xi32, #tpu.memory_space<vmem>>)
    "tpu.region"() ({
      %run_scoped3A = tpu.sem_alloc : memref<!tpu.dma_semaphore, #tpu.memory_space<semaphore_mem>>
      %dma_start3A_81 = arith.constant 0 : i32
      %dma_start3A_82 = arith.constant 0 : i32
      %dma_start3A_83 = tpu.memref_slice %arg18[%dma_start3A_81, %dma_start3A_82] : memref<10000x128xf32, #tpu.memory_space<vmem_shared>> -> memref<10000x128xf32, #tpu.memory_space<vmem_shared>>
      tpu.enqueue_indirect_dma source(%arg14 : memref<80x128xf32, #tpu.memory_space<vmem>>) target(%dma_start3A_83 : memref<10000x128xf32, #tpu.memory_space<vmem_shared>>) offsets(%arg11 : memref<80xi32, #tpu.memory_space<vmem>>) semaphore(%run_scoped3A : memref<!tpu.dma_semaphore, #tpu.memory_space<semaphore_mem>>) {add = true}
      %dma_wait3A_84 = arith.constant 0 : i32
      %dma_wait3A_85 = arith.constant 0 : i32
      %dma_wait3A_86 = tpu.memref_slice %arg18[%dma_wait3A_84, %dma_wait3A_85] : memref<10000x128xf32, #tpu.memory_space<vmem_shared>> -> memref<10000x128xf32, #tpu.memory_space<vmem_shared>>
      tpu.wait_indirect_dma semaphore(%run_scoped3A : memref<!tpu.dma_semaphore, #tpu.memory_space<semaphore_mem>>) src(%arg14 : memref<80x128xf32, #tpu.memory_space<vmem>>) dst(%dma_wait3A_86 : memref<10000x128xf32, #tpu.memory_space<vmem_shared>>)
      tpu.yield
    }) : () -> ()
    %scan3A_60 = arith.constant 0 : i32
    %scan3A_61 = arith.constant 5 : i32
    %scan3A_62 = arith.addi %scan3A_60, %scan3A_61 : i32
    %scan3A_63 = arith.constant 1 : i32
    scf.for %scan3A_81 = %scan3A_60 to %scan3A_62 step %scan3A_63  : i32 {
      %mul3A_82 = arith.constant 16 : i32
      %mul3A_83 = arith.muli %scan3A_81, %mul3A_82 : i32
      %add3A_84 = arith.constant 0 : i32
      %add3A_85 = arith.addi %add3A_84, %mul3A_83 : i32
      %get3A = arith.index_cast %add3A_85 : i32 to index
      %get3A_86 = tpu.vector_load %arg11[%get3A] {strides = array<i32>} : memref<80xi32, #tpu.memory_space<vmem>>, vector<16xi32>,
      tpu.vector_store_idx %arg17[%get3A_86], %broadcast_in_dim3A_12 {add = true} : memref<10000xf32, #tpu.memory_space<vmem>>[vector<16xi32>], vector<16xf32>,
    }
    %scan3A_64 = arith.constant 5 : i32
    %dma_wait3A_65 = arith.constant 0 : i32
    %dma_wait3A_66 = arith.constant 0 : i32
    %dma_wait3A_67 = tpu.memref_slice %arg2[%dma_wait3A_65, %dma_wait3A_66] : memref<10000x128xf32, #tpu.memory_space<hbm>> -> memref<10000x128xf32, #tpu.memory_space<hbm>>
    tpu.wait_indirect_dma semaphore(%arg26 : memref<!tpu.dma_semaphore, #tpu.memory_space<semaphore_mem>>) src(%dma_wait3A_67 : memref<10000x128xf32, #tpu.memory_space<hbm>>) dst(%arg15 : memref<80x128xf32, #tpu.memory_space<vmem>>)
    %dma_wait3A_68 = tpu.memref_slice %arg4[%mul3A_11] : memref<320000xi32, #tpu.memory_space<hbm>> -> memref<80xi32, #tpu.memory_space<hbm>>
    %dma_wait3A_69 = tpu.memref_slice %arg4[%mul3A_11] : memref<320000xi32, #tpu.memory_space<hbm>> -> memref<80xi32, #tpu.memory_space<hbm>>
    tpu.wait_dma2 semaphore(%arg23 : memref<!tpu.dma_semaphore, #tpu.memory_space<semaphore_mem>>) src(%dma_wait3A_69 : memref<80xi32, #tpu.memory_space<hbm>>) dst(%arg12 : memref<80xi32, #tpu.memory_space<vmem>>)
    "tpu.region"() ({
      %run_scoped3A = tpu.sem_alloc : memref<!tpu.dma_semaphore, #tpu.memory_space<semaphore_mem>>
      %dma_start3A_81 = arith.constant 0 : i32
      %dma_start3A_82 = arith.constant 0 : i32
      %dma_start3A_83 = tpu.memref_slice %arg18[%dma_start3A_81, %dma_start3A_82] : memref<10000x128xf32, #tpu.memory_space<vmem_shared>> -> memref<10000x128xf32, #tpu.memory_space<vmem_shared>>
      tpu.enqueue_indirect_dma source(%arg15 : memref<80x128xf32, #tpu.memory_space<vmem>>) target(%dma_start3A_83 : memref<10000x128xf32, #tpu.memory_space<vmem_shared>>) offsets(%arg12 : memref<80xi32, #tpu.memory_space<vmem>>) semaphore(%run_scoped3A : memref<!tpu.dma_semaphore, #tpu.memory_space<semaphore_mem>>) {add = true}
      %dma_wait3A_84 = arith.constant 0 : i32
      %dma_wait3A_85 = arith.constant 0 : i32
      %dma_wait3A_86 = tpu.memref_slice %arg18[%dma_wait3A_84, %dma_wait3A_85] : memref<10000x128xf32, #tpu.memory_space<vmem_shared>> -> memref<10000x128xf32, #tpu.memory_space<vmem_shared>>
      tpu.wait_indirect_dma semaphore(%run_scoped3A : memref<!tpu.dma_semaphore, #tpu.memory_space<semaphore_mem>>) src(%arg15 : memref<80x128xf32, #tpu.memory_space<vmem>>) dst(%dma_wait3A_86 : memref<10000x128xf32, #tpu.memory_space<vmem_shared>>)
      tpu.yield
    }) : () -> ()
    %scan3A_70 = arith.constant 0 : i32
    %scan3A_71 = arith.constant 5 : i32
    %scan3A_72 = arith.addi %scan3A_70, %scan3A_71 : i32
    %scan3A_73 = arith.constant 1 : i32
    scf.for %scan3A_81 = %scan3A_70 to %scan3A_72 step %scan3A_73  : i32 {
      %mul3A_82 = arith.constant 16 : i32
      %mul3A_83 = arith.muli %scan3A_81, %mul3A_82 : i32
      %add3A_84 = arith.constant 0 : i32
      %add3A_85 = arith.addi %add3A_84, %mul3A_83 : i32
      %get3A = arith.index_cast %add3A_85 : i32 to index
      %get3A_86 = tpu.vector_load %arg12[%get3A] {strides = array<i32>} : memref<80xi32, #tpu.memory_space<vmem>>, vector<16xi32>,
      tpu.vector_store_idx %arg17[%get3A_86], %broadcast_in_dim3A_12 {add = true} : memref<10000xf32, #tpu.memory_space<vmem>>[vector<16xi32>], vector<16xf32>,
    }
    %scan3A_74 = arith.constant 5 : i32
    %barrier3A_75 = arith.constant 0 : index
    tpu.barrier barrier_id(%barrier3A_75)
    %scan3A_76 = arith.constant 0 : i32
    %scan3A_77 = arith.constant 8 : i32
    %scan3A_78 = arith.addi %scan3A_76, %scan3A_77 : i32
    %scan3A_79 = arith.constant 1 : i32
    scf.for %scan3A_81 = %scan3A_76 to %scan3A_78 step %scan3A_79  : i32 {
      %mul3A_82 = arith.constant 1 : i32
      %mul3A_83 = arith.muli %scan3A_81, %mul3A_82 : i32
      %add3A_84 = arith.constant 0 : i32
      %add3A_85 = arith.addi %add3A_84, %mul3A_83 : i32
      %mul3A_86 = arith.constant 16 : i32
      %mul3A_87 = arith.muli %add3A_85, %mul3A_86 : i32
      %add3A_88 = arith.addi %arg1, %mul3A_87 : i32
      %lt3A = arith.constant 125 : i32
      %lt3A_89 = arith.cmpi slt, %add3A_88, %lt3A : i32
      %convert_element_type3A = arith.extui %lt3A_89 : i1 to i32
      %cond3A = arith.constant 0 : i32
      %cond3A_90 = arith.cmpi ne, %convert_element_type3A, %cond3A : i32
      scf.if %cond3A_90 {
        %mul3A_91 = arith.constant 80 : i32
        %mul3A_92 = arith.muli %add3A_88, %mul3A_91 : i32
        %mul3A_93 = arith.constant 10000 : i32
        %mul3A_94 = arith.muli %arg0, %mul3A_93 : i32
        %mul3A_95 = arith.constant 80 : i32
        %mul3A_96 = arith.muli %add3A_88, %mul3A_95 : i32
        %add3A_97 = arith.addi %mul3A_94, %mul3A_96 : i32
        "tpu.region"() ({
          %run_scoped3A = tpu.sem_alloc : memref<!tpu.dma_semaphore, #tpu.memory_space<semaphore_mem>>
          %dma_start3A_98 = arith.constant 0 : i32
          %dma_start3A_99 = tpu.memref_slice %arg6[%add3A_97, %dma_start3A_98] : memref<20000x128xf32, #tpu.memory_space<hbm>> -> memref<80x128xf32, #tpu.memory_space<hbm>>
          %dma_start3A_100 = arith.constant 0 : i32
          %dma_start3A_101 = tpu.memref_slice %arg18[%mul3A_92, %dma_start3A_100] : memref<10000x128xf32, #tpu.memory_space<vmem_shared>> -> memref<80x128xf32, #tpu.memory_space<vmem_shared>>
          tpu.enqueue_dma source(%dma_start3A_101 : memref<80x128xf32, #tpu.memory_space<vmem_shared>>) target(%dma_start3A_99 : memref<80x128xf32, #tpu.memory_space<hbm>>) target_semaphore(%run_scoped3A : memref<!tpu.dma_semaphore, #tpu.memory_space<semaphore_mem>>)
          %dma_wait3A_102 = arith.constant 0 : i32
          %dma_wait3A_103 = tpu.memref_slice %arg6[%add3A_97, %dma_wait3A_102] : memref<20000x128xf32, #tpu.memory_space<hbm>> -> memref<80x128xf32, #tpu.memory_space<hbm>>
          %dma_wait3A_104 = arith.constant 0 : i32
          %dma_wait3A_105 = tpu.memref_slice %arg18[%mul3A_92, %dma_wait3A_104] : memref<10000x128xf32, #tpu.memory_space<vmem_shared>> -> memref<80x128xf32, #tpu.memory_space<vmem_shared>>
          tpu.wait_dma2 semaphore(%run_scoped3A : memref<!tpu.dma_semaphore, #tpu.memory_space<semaphore_mem>>) src(%dma_wait3A_105 : memref<80x128xf32, #tpu.memory_space<vmem_shared>>) dst(%dma_wait3A_103 : memref<80x128xf32, #tpu.memory_space<hbm>>)
          tpu.yield
        }) : () -> ()
      } else {
      }
    }
    %scan3A_80 = arith.constant 8 : i32
    "tpu.region"() ({
      %run_scoped3A = tpu.sem_alloc : memref<!tpu.dma_semaphore, #tpu.memory_space<semaphore_mem>>
      %dma_start3A_81 = arith.constant 0 : i32
      %dma_start3A_82 = tpu.memref_slice %arg7[%add3A, %dma_start3A_81] : memref<32x10000xf32, #tpu.memory_space<hbm>> -> memref<1x10000xf32, #tpu.memory_space<hbm>>
      %dma_start3A_83 = tpu.memref_squeeze %dma_start3A_82 : memref<1x10000xf32, #tpu.memory_space<hbm>> -> memref<10000xf32, #tpu.memory_space<hbm>>
      %dma_start3A_84 = arith.constant 0 : i32
      %dma_start3A_85 = tpu.memref_slice %arg7[%add3A, %dma_start3A_84] : memref<32x10000xf32, #tpu.memory_space<hbm>> -> memref<1x10000xf32, #tpu.memory_space<hbm>>
      %dma_start3A_86 = tpu.memref_squeeze %dma_start3A_85 : memref<1x10000xf32, #tpu.memory_space<hbm>> -> memref<10000xf32, #tpu.memory_space<hbm>>
      tpu.enqueue_dma source(%arg17 : memref<10000xf32, #tpu.memory_space<vmem>>) target(%dma_start3A_86 : memref<10000xf32, #tpu.memory_space<hbm>>) target_semaphore(%run_scoped3A : memref<!tpu.dma_semaphore, #tpu.memory_space<semaphore_mem>>)
      %dma_wait3A_87 = arith.constant 0 : i32
      %dma_wait3A_88 = tpu.memref_slice %arg7[%add3A, %dma_wait3A_87] : memref<32x10000xf32, #tpu.memory_space<hbm>> -> memref<1x10000xf32, #tpu.memory_space<hbm>>
      %dma_wait3A_89 = tpu.memref_squeeze %dma_wait3A_88 : memref<1x10000xf32, #tpu.memory_space<hbm>> -> memref<10000xf32, #tpu.memory_space<hbm>>
      %dma_wait3A_90 = arith.constant 0 : i32
      %dma_wait3A_91 = tpu.memref_slice %arg7[%add3A, %dma_wait3A_90] : memref<32x10000xf32, #tpu.memory_space<hbm>> -> memref<1x10000xf32, #tpu.memory_space<hbm>>
      %dma_wait3A_92 = tpu.memref_squeeze %dma_wait3A_91 : memref<1x10000xf32, #tpu.memory_space<hbm>> -> memref<10000xf32, #tpu.memory_space<hbm>>
      tpu.wait_dma2 semaphore(%run_scoped3A : memref<!tpu.dma_semaphore, #tpu.memory_space<semaphore_mem>>) src(%arg17 : memref<10000xf32, #tpu.memory_space<vmem>>) dst(%dma_wait3A_92 : memref<10000xf32, #tpu.memory_space<hbm>>)
      tpu.yield
    }) : () -> ()
    return
  }
}

module attributes {stable_mosaic.version = 14 : i64} {
  func.func @body(%arg0: memref<32x10000xf32, #tpu.memory_space<vmem>>, %arg1: memref<32x1xf32, #tpu.memory_space<vmem>>, %arg2: memref<10000x1xf32, #tpu.memory_space<vmem>>) attributes {dimension_semantics = [], scalar_prefetch = 0 : i64, scratch_operands = 0 : i64, tpu.core_type = #tpu.core_type<tc>} {
    %get3A = arith.constant 0 : index
    %get3A_0 = arith.constant 0 : index
    %get3A_1 = vector.load %arg0[%get3A, %get3A_0] : memref<32x10000xf32, #tpu.memory_space<vmem>>, vector<32x10000xf32>
    %get3A_2 = arith.constant 0 : index
    %get3A_3 = arith.constant 0 : index
    %get3A_4 = vector.load %arg1[%get3A_2, %get3A_3] : memref<32x1xf32, #tpu.memory_space<vmem>>, vector<32x1xf32>
    %dot_general3A = arith.constant dense<0.000000e+00> : vector<10000x1xf32>
    %dot_general3A_5 = tpu.matmul %get3A_1, %get3A_4, %dot_general3A {dimension_numbers = #tpu.dot_dimension_numbers<[0], [0], [1], [1], [0, 1, 1, 1], [], []>, transpose_lhs_hint = false} : vector<32x10000xf32>, vector<32x1xf32>, vector<10000x1xf32> -> vector<10000x1xf32>
    %max3A = arith.constant 1.000000e+00 : f32
    %max3A_6 = vector.broadcast %max3A : f32 to vector<10000x1xf32>
    %max3A_7 = arith.maximumf %dot_general3A_5, %max3A_6 : vector<10000x1xf32>
    %swap3A = arith.constant 0 : index
    %swap3A_8 = arith.constant 0 : index
    %swap3A_9 = vector.load %arg2[%swap3A, %swap3A_8] : memref<10000x1xf32, #tpu.memory_space<vmem>>, vector<10000x1xf32>
    tpu.vector_store %arg2[%swap3A, %swap3A_8], %max3A_7 {strides = array<i32>} : memref<10000x1xf32, #tpu.memory_space<vmem>>, vector<10000x1xf32>,
    return
  }
}

module attributes {stable_mosaic.version = 14 : i64} {
  func.func @body(%arg0: i32, %arg1: memref<1000x128xf32, #tpu.memory_space<vmem>>, %arg2: memref<1000x128xf32, #tpu.memory_space<vmem>>, %arg3: memref<1000x128xf32, #tpu.memory_space<vmem>>, %arg4: memref<1000x1xf32, #tpu.memory_space<vmem>>, %arg5: memref<256x128xf32, #tpu.memory_space<vmem>>, %arg6: memref<1x128xf32, #tpu.memory_space<vmem>>, %arg7: memref<1000x128xf32, #tpu.memory_space<vmem>>) attributes {dimension_semantics = [#tpu.dimension_semantics<arbitrary>], iteration_bounds = array<i64: 10>, scalar_prefetch = 0 : i64, scratch_operands = 0 : i64, tpu.core_type = #tpu.core_type<tc>, window_params = [{transform_indices = @transform_0, window_bounds = array<i64: 1000, 128>}, {transform_indices = @transform_1, window_bounds = array<i64: 1000, 128>}, {transform_indices = @transform_2, window_bounds = array<i64: 1000, 128>}, {transform_indices = @transform_3, window_bounds = array<i64: 1000, 1>}, {pipeline_mode = #tpu.pipeline_mode<synchronous>, transform_indices = @transform_4, window_bounds = array<i64: 256, 128>}, {pipeline_mode = #tpu.pipeline_mode<synchronous>, transform_indices = @transform_5, window_bounds = array<i64: 1, 128>}, {transform_indices = @transform_6, window_bounds = array<i64: 1000, 128>}]} {
    %get3A = arith.constant 0 : index
    %get3A_0 = arith.constant 0 : index
    %get3A_1 = vector.load %arg2[%get3A, %get3A_0] : memref<1000x128xf32, #tpu.memory_space<vmem>>, vector<1000x128xf32>
    %get3A_2 = arith.constant 0 : index
    %get3A_3 = arith.constant 0 : index
    %get3A_4 = vector.load %arg3[%get3A_2, %get3A_3] : memref<1000x128xf32, #tpu.memory_space<vmem>>, vector<1000x128xf32>
    %add3A = arith.addf %get3A_1, %get3A_4 : vector<1000x128xf32>
    %get3A_5 = arith.constant 0 : index
    %get3A_6 = arith.constant 0 : index
    %get3A_7 = vector.load %arg4[%get3A_5, %get3A_6] : memref<1000x1xf32, #tpu.memory_space<vmem>>, vector<1000x1xf32>
    %div3A = vector.broadcast %get3A_7 : vector<1000x1xf32> to vector<1000x128xf32>
    %div3A_8 = arith.divf %add3A, %div3A : vector<1000x128xf32>
    %get3A_9 = arith.constant 0 : index
    %get3A_10 = arith.constant 0 : index
    %get3A_11 = vector.load %arg1[%get3A_9, %get3A_10] : memref<1000x128xf32, #tpu.memory_space<vmem>>, vector<1000x128xf32>
    %concatenate3A = tpu.concatenate %get3A_11, %div3A_8 in 1 : vector<1000x128xf32>, vector<1000x128xf32> -> vector<1000x256xf32>
    %get3A_12 = arith.constant 0 : index
    %get3A_13 = arith.constant 0 : index
    %get3A_14 = vector.load %arg5[%get3A_12, %get3A_13] : memref<256x128xf32, #tpu.memory_space<vmem>>, vector<256x128xf32>
    %dot_general3A = arith.constant dense<0.000000e+00> : vector<1000x128xf32>
    %dot_general3A_15 = tpu.matmul %concatenate3A, %get3A_14, %dot_general3A {dimension_numbers = #tpu.dot_dimension_numbers<[1], [0], [0], [1], [0, 0, 1, 1], [], []>, transpose_lhs_hint = false} : vector<1000x256xf32>, vector<256x128xf32>, vector<1000x128xf32> -> vector<1000x128xf32>
    %get3A_16 = arith.constant 0 : index
    %get3A_17 = arith.constant 0 : index
    %get3A_18 = vector.load %arg6[%get3A_16, %get3A_17] : memref<1x128xf32, #tpu.memory_space<vmem>>, vector<1x128xf32>
    %add3A_19 = vector.broadcast %get3A_18 : vector<1x128xf32> to vector<1000x128xf32>
    %add3A_20 = arith.addf %dot_general3A_15, %add3A_19 : vector<1000x128xf32>
    %swap3A = arith.constant 0 : index
    %swap3A_21 = arith.constant 0 : index
    %swap3A_22 = vector.load %arg7[%swap3A, %swap3A_21] : memref<1000x128xf32, #tpu.memory_space<vmem>>, vector<1000x128xf32>
    tpu.vector_store %arg7[%swap3A, %swap3A_21], %add3A_20 {strides = array<i32>} : memref<1000x128xf32, #tpu.memory_space<vmem>>, vector<1000x128xf32>,
    return
  }
  func.func @transform_0(%arg0: i32) -> (i32, i32) {
    %c0_i32 = arith.constant 0 : i32
    %c0_i32_0 = arith.constant 0 : i32
    return %arg0, %c0_i32 : i32, i32
  }
  func.func @transform_1(%arg0: i32) -> (i32, i32) {
    %c0_i32 = arith.constant 0 : i32
    %c0_i32_0 = arith.constant 0 : i32
    return %arg0, %c0_i32 : i32, i32
  }
  func.func @transform_2(%arg0: i32) -> (i32, i32) {
    %add3A = arith.constant 10 : i32
    %add3A_0 = arith.addi %arg0, %add3A : i32
    %c0_i32 = arith.constant 0 : i32
    %c0_i32_1 = arith.constant 0 : i32
    return %add3A_0, %c0_i32 : i32, i32
  }
  func.func @transform_3(%arg0: i32) -> (i32, i32) {
    %c0_i32 = arith.constant 0 : i32
    %c0_i32_0 = arith.constant 0 : i32
    return %arg0, %c0_i32 : i32, i32
  }
  func.func @transform_4(%arg0: i32) -> (i32, i32) {
    %c0_i32 = arith.constant 0 : i32
    %c0_i32_0 = arith.constant 0 : i32
    %c0_i32_1 = arith.constant 0 : i32
    return %c0_i32, %c0_i32_0 : i32, i32
  }
  func.func @transform_5(%arg0: i32) -> (i32, i32) {
    %c0_i32 = arith.constant 0 : i32
    %c0_i32_0 = arith.constant 0 : i32
    %c0_i32_1 = arith.constant 0 : i32
    return %c0_i32, %c0_i32_0 : i32, i32
  }
  func.func @transform_6(%arg0: i32) -> (i32, i32) {
    %c0_i32 = arith.constant 0 : i32
    %c0_i32_0 = arith.constant 0 : i32
    return %arg0, %c0_i32 : i32, i32
  }
}

</mosaic_0001>

<sc_bundles>
// kernel: kernel.5.cloned.1.call-start
scs
__scs_entry_jumppad:
0x0: {  	(pc) =	sbr.rel $0x88, $3  }
0x1: {  	(tag) =	ssettag $0x0;
	lr =	simm.s32 $0x1  }
0x2: {  	[smem:$0x3F9D] =	sst lr;
	_ =	strace $0xD0000000  }
0x3: {  	_ = 	snop  }
0x4: {  	_ = 	snop  }
0x5: {  	_ = 	snop  }
0x6: {  	_ = 	snop  }
0x7: {  	_ = 	snop  }
__scs_overlays_trampoline_lowered:
0x8: {  	[smem:$0x3FAC] =	sst s0  }
0x9: {  	[smem:$0x3FAD] =	sst s1  }
0xa: {  	[smem:$0x3FAE] =	sst s2  }
0xb: {  	[smem:$0x3FAF] =	sst s3  }
0xc: {  	[smem:$0x3FB0] =	sst s4  }
0xd: {  	[smem:$0x3FB1] =	sst s5  }
0xe: {  	[smem:$0x3FB2] =	sst s6  }
0xf: {  	[smem:$0x3FB3] =	sst s7  }
0x10: {  	[smem:$0x3FB4] =	sst s8  }
0x11: {  	[smem:$0x3FB5] =	sst s9;
	s0 =	simm.s32 @!p0 $0x0  }
0x12: {  	s1 =	sld [smem:$0x3F9B];
	s0 =	simm.s32 @p0 $0x1  }
0x13: {  	[smem:$0x3FB6] =	sst s0;
	s0 =	simm.s32 @!p1 $0x0  }
0x14: {  	s2 =	sld [smem:$0x3F9A];
	s0 =	simm.s32 @p1 $0x1  }
0x15: {  	[smem:$0x3FB7] =	sst s0;
	s0 =	simm.s32 @!p2 $0x0  }
0x16: {  	s3 =	sld [smem:$0x3FDB];
	s0 =	simm.s32 @p2 $0x1  }
0x17: {  	s4 =	simm.s32 $0x1BF5;
	[smem:$0x3FB9] =	sst s0  }
0x18: {  	s0 =	sld [smem:$0x3F9C];
	_ =	swait.ge [sflag:s4], $0x0  }
0x19: {  	s7 =	sld [smem:$0x3F9D]  }
0x1a: {  	s8 =	sadd.s32 $0xFFFFE003, lr  }
0x1b: {  	s9 =	sadd.s32 $0xFFFFFEF7, lr;
	s5 =	simm.s32 $0xFFFFFFFF;
	p2 =	slt.u32 s8, $0xFFFFF086  }
0x1c: {  	p1 =	slt.u32 s9, $0xF7A;
	s5 =	simm.s32 @!p2 $0x0  }
0x1d: {  	s5 =	simm.s32 @p1 $0x1;
	p0 =	seq.s32 s7, s2  }
0x1e: {  	s7 =	smul.u32 @!p0 $0xF7A, s2;
	p2 =	seq.s32 @!p0 s5, $0x0  }
0x1f: {  	s9 =	smul.u32 $0xF7A, s1;
	s8 =	simm.s32 @!p0 $0x1BF5;
	p2 =	por !p2, p0  }
0x20: {  	[sflag:s8] =	ssyncset.s32 @!p0 $0xFFFFF086;
	s6 =	sadd.s32 @!p0 s3, s7;
	s7 =	simm.s32 @!p0 $0x108  }
0x21: {  	s3 =	sadd.s32 s3, s9;
	s6 =	sadd.s32 @!p0 $0x88, s6;
	s7 =	simm.s32 @p2 $0x1082  }
0x22: {  	[simem:s7], [sflag:s8] =	dma.local @!p0 [hbm:s6], $0xF7A  }
0x23: {  	s9 =	sor.u32 $0xD0000000, s2;
	s6 =	simm.s32 $0x108;
	_ =	swait.ge @!p0 [sflag:s8], $0x0  }
0x24: {  	s3 =	sadd.s32 $0x88, s3;
	s6 =	simm.s32 @!p1 $0x1082;
	[sflag:s4] =	ssyncset.s32 $0xFFFFF086  }
0x25: {  	[simem:s6], [sflag:s4] =	dma.local [hbm:s3], $0xF7A  }
0x26: {  	[smem:$0x3F9D] =	sst s1;
	(tag) =	ssettag s2;
	_ =	strace s9  }
0x27: {  	s1 =	sld [smem:$0x3FAD]  }
0x28: {  	s2 =	sld [smem:$0x3FAE]  }
0x29: {  	s4 =	sld [smem:$0x3FB0]  }
0x2a: {  	p0 =	seq.s32 s5, $0x0;
	s5 =	sld [smem:$0x3FB1]  }
0x2b: {  	s6 =	sld [smem:$0x3FB2]  }
0x2c: {  	s7 =	sld [smem:$0x3FB3]  }
0x2d: {  	s3 =	simm.s32 $0x108;
	s8 =	sld [smem:$0x3FB4]  }
0x2e: {  	s3 =	simm.s32 @!p0 $0x1082;
	s9 =	sld [smem:$0x3FB5]  }
0x2f: {  	lr =	sadd.s32 s0, s3;
	s0 =	sld [smem:$0x3FAC]  }
0x30: {  	s3 =	sld [smem:$0x3FAF]  }
0x31: {  	[smem:$0x3FB8] =	sst s10  }
0x32: {  	s10 =	sld [smem:$0x3FB6];
	_ =	sdelay $0x3  }
0x33: {  	p0 =	seq.s32 s10, $0x1;
	s10 =	sld [smem:$0x3FB8];
	_ =	sdelay $0x3  }
0x34: {  	[smem:$0x3FB8] =	sst s10  }
0x35: {  	s10 =	sld [smem:$0x3FB7];
	_ =	sdelay $0x3  }
0x36: {  	p1 =	seq.s32 s10, $0x1;
	s10 =	sld [smem:$0x3FB8];
	_ =	sdelay $0x3  }
0x37: {  	[smem:$0x3FB8] =	sst s10  }
0x38: {  	s10 =	sld [smem:$0x3FB9]  }
0x39: {  	_ = 	snop;
	(pc) =	sbr.ind lr, $3  }
0x3a: {  	_ = 	snop  }
0x3b: {  	_ = 	snop  }
0x3c: {  	p2 =	seq.s32 s10, $0x1;
	s10 =	sld [smem:$0x3FB8]  }
0x3d: {  	_ =	shalt  }
0x3e: {  	_ =	shalt  }
0x3f: {  	_ =	shalt  }
0x40: {  	_ =	shalt  }
0x41: {  	_ =	shalt  }
0x42: {  	_ =	shalt  }
0x43: {  	_ =	shalt  }
0x44: {  	_ =	shalt  }
0x45: {  	_ =	shalt  }
0x46: {  	_ =	shalt  }
0x47: {  	_ =	shalt  }
0x48: {  	_ =	shalt  }
0x49: {  	_ =	shalt  }
0x4a: {  	_ =	shalt  }
0x4b: {  	_ =	shalt  }
0x4c: {  	_ =	shalt  }
0x4d: {  	_ =	shalt  }
0x4e: {  	_ =	shalt  }
0x4f: {  	_ =	shalt  }
0x50: {  	_ =	shalt  }
0x51: {  	_ =	shalt  }
0x52: {  	_ =	shalt  }
0x53: {  	_ =	shalt  }
0x54: {  	_ =	shalt  }
0x55: {  	_ =	shalt  }
0x56: {  	_ =	shalt  }
0x57: {  	_ =	shalt  }
0x58: {  	_ =	shalt  }
0x59: {  	_ =	shalt  }
0x5a: {  	_ =	shalt  }
0x5b: {  	_ =	shalt  }
0x5c: {  	_ =	shalt  }
0x5d: {  	_ =	shalt  }
0x5e: {  	_ =	shalt  }
0x5f: {  	_ =	shalt  }
0x60: {  	_ =	shalt  }
0x61: {  	_ =	shalt  }
0x62: {  	_ =	shalt  }
0x63: {  	_ =	shalt  }
0x64: {  	_ =	shalt  }
0x65: {  	_ =	shalt  }
0x66: {  	_ =	shalt  }
0x67: {  	_ =	shalt  }
0x68: {  	_ =	shalt  }
0x69: {  	_ =	shalt  }
0x6a: {  	_ =	shalt  }
0x6b: {  	_ =	shalt  }
0x6c: {  	_ =	shalt  }
0x6d: {  	_ =	shalt  }
0x6e: {  	_ =	shalt  }
0x6f: {  	_ =	shalt  }
0x70: {  	_ =	shalt  }
0x71: {  	_ =	shalt  }
0x72: {  	_ =	shalt  }
0x73: {  	_ =	shalt  }
0x74: {  	_ =	shalt  }
0x75: {  	_ =	shalt  }
0x76: {  	_ =	shalt  }
0x77: {  	_ =	shalt  }
0x78: {  	_ =	shalt  }
0x79: {  	_ =	shalt  }
0x7a: {  	_ =	shalt  }
0x7b: {  	_ =	shalt  }
0x7c: {  	_ =	shalt  }
0x7d: {  	_ =	shalt  }
0x7e: {  	_ =	shalt  }
0x7f: {  	_ =	shalt  }
0x80: {  	_ =	shalt  }
0x81: {  	_ =	shalt  }
0x82: {  	_ =	shalt  }
0x83: {  	_ =	shalt  }
0x84: {  	_ =	shalt  }
0x85: {  	_ =	shalt  }
0x86: {  	_ =	shalt  }
0x87: {  	_ =	shalt  }
.Lfunc_end0:
.L_simem_size_0:
called_computation_lowered:
.L_overlay_start_0:
0x88: {  	s2 =	sld [smem:$0x3FD9]  }
0x89: {  	s3 =	sld [smem:$0x3FFE];
	_ =	sdelay $0x1  }
0x8a: {  	s1 =	srdreg.scid  }
0x8b: {  	s0 =	sand.u32 $0x1, s1  }
0x8c: {  	s17 =	sshll.u32 s0, $0xA;
	s2 =	sadd.s32 s3, s2  }
0x8d: {  	s2 =	sadd.s32 s2, s17  }
0x8e: {  	[smem:$0x3FC4] =	sst s2  }
0x8f: {  	_ = 	snop  }
0x90: {  	s2 =	sld [smem:$0x3FC9]  }
0x91: {  	s18 =	sld [smem:$0x3FD0];
	(tm) =	ssettm $0x1  }
0x92: {  	s4 =	sld [smem:$0x3FFB];
	_ =	sdelay $0x3  }
0x93: {  	_ =	strace s4  }
0x94: {  	s4 =	sld [smem:$0x3FFC];
	_ =	sdelay $0x3  }
0x95: {  	_ =	strace s4  }
0x96: {  	s4 =	sld [smem:$0x3FFD];
	_ =	sdelay $0x3  }
0x97: {  	_ =	strace s4  }
0x98: {  	_ =	strace $0x8FFFFFFF  }
0x99: {  	s19 =	sld [smem:$0x3FDB];
	_ =	sdelay $0x1  }
0x9a: {  	s5 =	simm.s32 $_scs_section_size  }
0x9b: {  	s6 =	simm.s32 $_size__tile_overlayer_lowered;
	s7 =	simm.s32 $_tile_overlayer_lowered  }
0x9c: {  	s22 =	simm.s32 $0x1BFF;
	s21 =	sshll.u32 s7, $0x1;
	s4 =	sadd.s32 s5, s19  }
0x9d: {  	s8 =	simm.s32 $0x0;
	s20 =	sshll.u32 s6, $0x1;
	s6 =	sadd.s32 s21, s4  }
0x9e: {  	[timem:s8], [sflag:s22] =	dma.local [hbm:s6], s20  }
0x9f: {  	_ =	swait.ge [sflag:s22], s20  }
0xa0: {  	s5 =	ssub.s32 $0x0, s20;
	[sflag:s22] =	ssyncset.done $0x0  }
0xa1: {  	[sflag:s22] =	ssyncadd.s32 s5;
	_ =	sdelay $0x1  }
0xa2: {  	s23 =	simm.s32 $0x1B8B  }
0xa3: {  	_ =	swait.ge [sflag:s23], $0x1  }
0xa4: {  	[sflag:s23] =	ssyncset.done $0x0  }
0xa5: {  	s25 =	simm.s32 $0x1B8E;
	s24 =	sld [smem:$0x3FFE];
	[sflag:s23] =	ssyncadd.s32 $0xFFFFFFFF  }
0xa6: {  	s26 =	simm.s32 $execute0_lowered;
	[smem:$0x3FD2] =	sst s25  }
0xa7: {  	s6 =	sshll.u32 s26, $0x1;
	_ =	strace $0x80000046;
	[dreg:$0x1] =	wrdreg $0xFFFFFFFF  }
0xa8: {  	s28 =	simm.s32 $_size_execute0_lowered;
	s4 =	sadd.s32 s4, s6;
	[dreg:$0x0] =	wrdreg $0x0  }
0xa9: {  	s6 =	sshll.u32 s28, $0x1;
	[dreg:$0x2] =	wrdreg s4  }
0xaa: {  	[dreg:$0x3] =	wrdreg s6  }
0xab: {  	[dreg:$0x4] =	wrdreg $0xC0  }
0xac: {  	_ =	task [dreg:s8], $0x5FFFF  }
0xad: {  	[dreg:$0x1] =	wrdreg $0xFFFFFFFF  }
0xae: {  	[dreg:$0x0] =	wrdreg $0x60  }
0xaf: {  	[dreg:$0x2] =	wrdreg s2  }
0xb0: {  	[dreg:$0x3] =	wrdreg s24  }
0xb1: {  	[dreg:$0x4] =	wrdreg s18  }
0xb2: {  	[dreg:$0x5] =	wrdreg $0xA2800  }
0xb3: {  	[dreg:$0x6] =	wrdreg $0x9  }
0xb4: {  	_ =	task.clear_ibuf [dreg:s8], $0x7FFFF;
	_ =	strace $0x90000046  }
0xb5: {  	s29 =	simm.s32 $0x9;
	_ =	strace $0x80000048  }
0xb6: {  	_ =	swait.ge [sflag:s29], $0x1  }
0xb7: {  	[sflag:s29] =	ssyncadd.s32 $0xFFFFFFFF  }
0xb8: {  	_ =	strace $0x90000048  }
0xb9: {  	_ =	sfence  }
0xba: {  	s30 =	sld [smem:$0x0];
	_ =	sdelay $0x2  }
0xbb: {  	s31 =	sshll.u32 s1, $0xD;
	s1 =	sshrl.u32 s1, $0x2  }
0xbc: {  	s3 =	sand.u32 $0x4000, s31;
	s1 =	sadd.s32 s1, s30  }
0xbd: {  	s0 =	sor.u32 s3, s0;
	s1 =	sshll.u32 s1, $0x11  }
0xbe: {  	s0 =	sor.u32 s1, s0  }
0xbf: {  	s0 =	sadd.s32 $0x8F2B, s0  }
0xc0: {  	[sflag:s0] =	ssyncadd.remote.s32 $0x1  }
0xc1: {  	_ =	sfence.sel $0xFFFF  }
0xc2: {  	[dreg:$0x0] =	wrdreg $0xFFFFFFFF;
	(pc) =	sbr.abs _section_cstart, $3  }
0xc3: {  	[dreg:$0x1] =	wrdreg $0xFFFFFFFF  }
0xc4: {  	_ =	task.clear_ibuf [dreg:s8], $0x2FFFF;
	_ =	strace $0x9FFFFFFF  }
0xc5: {  	(tm) =	ssettm $0x7FFFFFFF  }
tec
execute0_lowered:
.L_overlay_start_1:
0x0: {  	(tag) =	ssettag $0x1  }
0x1: {  	s1 =	rddreg [dreg:$0x0]  }
0x2: {  	s0 =	rddreg [dreg:$0x1]  }
0x3: {  	s3 =	rddreg [dreg:$0x2];
	s4 =	srdreg.scid  }
0x4: {  	s2 =	rddreg [dreg:$0x3];
	s21 =	stileid.u32  }
0x5: {  	s28 =	simm.s32 $0x7;
	s29 =	simm.s32 $0x4;
	s30 =	simm.s32 $0x7B00  }
0x6: {  	s31 =	simm.s32 $0x8;
	s5 =	sand.u32 $0x1, s4;
	s12 =	smul.u32 $0x500, s21  }
0x7: {  	s4 =	simm.s32 $0x0;
	s11 =	sor.u32 $0x10, s21;
	s6 =	smul.u32 $0x27100, s5  }
0x8: {  	s22 =	sshll.u32 s21, $0x7;
	s13 =	sor.u32 $0x20, s21;
	s14 =	smul.u32 $0x500, s11  }
0x9: {  	s16 =	sor.u32 $0x40, s21;
	s18 =	sor.u32 $0x60, s21;
	s15 =	smul.u32 $0x500, s13  }
0xa: {  	s19 =	sor.u32 $0x70, s21;
	[smem:$0x7FF] =	sst s4;
	s23 =	smul.u32 $0x500, s16  }
0xb: {  	s7 =	sshll.u32 s5, $0x4;
	s5 =	ssub.s32 $0x2, s5;
	s25 =	smul.u32 $0x500, s18  }
0xc: {  	s7 =	sor.u32 s21, s7;
	s9 =	sshrl.u32 s5, $0x1;
	s8 =	sadd.s32 s6, s0  }
0xd: {  	s10 =	smul.u32 $0x2710, s7;
	s7 =	sshrl.u32 s7, $0x3;
	s5 =	ssub.s32 s5, s9  }
0xe: {  	s9 =	sand.u32 $0x380, s22;
	s22 =	smul.u32 $0x2710, s21;
	s8 =	sadd.s32 $0x15200, s8  }
0xf: {  	p0 =	sgt.u32 s19, $0x7C;
	s7 =	smul.u32 $0x13C00, s7;
	s12 =	sadd.s32 s8, s12  }
0x10: {  	s5 =	smax.u32 s5, $0x1;
	s24 =	sadd.s32 s8, s14;
	[dreg:$0x6] =	wrdreg s12  }
0x11: {  	s26 =	sadd.s32 s8, s15;
	s7 =	sor.u32 s9, s7;
	[dreg:$0x7] =	wrdreg s24  }
0x12: {  	s9 =	sor.u32 $0x30, s21;
	[dreg:$0x8] =	wrdreg s26;
	s12 =	sadd.s32 s8, s25  }
0x13: {  	s7 =	sshrl.u32 s7, $0x3;
	s17 =	smul.u32 $0x500, s9;
	[dreg:$0xc] =	wrdreg s12  }
0x14: {  	s12 =	sadd.s32 s22, s6;
	s3 =	sadd.s32 s3, s7;
	s7 =	sadd.s32 s8, s23  }
0x15: {  	s23 =	sshrl.u32 s10, $0x3;
	s10 =	sadd.s32 $0x1000, s0;
	[dreg:$0x5] =	wrdreg s3  }
0x16: {  	s3 =	sor.u32 $0x50, s21;
	s15 =	sadd.s32 s8, s17;
	s17 =	smul.u32 $0x500, s19  }
0x17: {  	[dreg:$0xa] =	wrdreg s7;
	s24 =	sadd.s32 $0xA, s23;
	s20 =	smul.u32 $0x500, s3  }
0x18: {  	s7 =	sadd.s32 s10, s23;
	s14 =	sadd.s32 $0x14, s23;
	s6 =	smov.u32 s10  }
0x19: {  	[dreg:$0x9] =	wrdreg s15;
	s15 =	smul.u32 $0xA000, s21;
	s20 =	sadd.s32 s8, s20  }
0x1a: {  	s3 =	smul.u32 $0xA000, s3;
	s8 =	sadd.s32 s8, s17;
	[dreg:$0xb] =	wrdreg s20  }
0x1b: {  	[dreg:$0xd] =	wrdreg s8;
	s8 =	sadd.s32 $0xAE00, s0;
	s0 =	sadd.s32 $0x14C00, s0  }
0x1c: {  	s22 =	sshrl.u32 s15, $0x2;
	_ =	strace $0x80000047;
	[dreg:$0xe] =	wrdreg s0  }
0x1d: {  	s3 =	sshrl.u32 s3, $0x2;
	s20 =	smul.u32 $0xA000, s11;
	[dreg:$0x12] =	wrdreg s7  }
0x1e: {  	s25 =	sadd.s32 s8, s24;
	s0 =	sadd.s32 s10, s24;
	[dreg:$0x15] =	wrdreg s5  }
0x1f: {  	s26 =	sadd.s32 s8, s23;
	s23 =	smul.u32 $0xA000, s13;
	[dreg:$0xf] =	wrdreg s25  }
0x20: {  	s17 =	sadd.s32 s8, s14;
	s24 =	smul.u32 $0xA000, s9;
	[dreg:$0x10] =	wrdreg s0  }
0x21: {  	s5 =	sadd.s32 s22, s2;
	s13 =	smul.u32 $0xA000, s18;
	[dreg:$0x11] =	wrdreg s26  }
0x22: {  	s7 =	simm.s32 $0x0;
	[dreg:$0x13] =	wrdreg s17;
	s0 =	sadd.s32 s10, s14  }
0x23: {  	[dreg:$0x16] =	wrdreg s5;
	s25 =	sshll.u32 s21, $0x6;
	s26 =	smul.u32 $0xA000, s16  }
0x24: {  	s16 =	smul.u32 $0xA000, s19;
	s17 =	sadd.s32 s3, s2;
	s21 =	sadd.s32 $0x140, s12  }
0x25: {  	s3 =	simm.s32 $0x9;
	[dreg:$0x14] =	wrdreg s0;
	s15 =	sor.u32 $0x1C0A, s25  }
0x26: {  	s0 =	sshrl.u32 s20, $0x2;
	s9 =	sshrl.u32 s23, $0x2;
	s11 =	sshrl.u32 s24, $0x2  }
0x27: {  	s5 =	sshrl.u32 s13, $0x2;
	[dreg:$0x1c] =	wrdreg s17;
	s20 =	sadd.s32 $0x190, s12  }
0x28: {  	s23 =	sshrl.u32 s21, $0x3;
	s13 =	simm.s32 $0x200;
	s21 =	simm.s32 $0x300  }
0x29: {  	s0 =	sadd.s32 s0, s2;
	s14 =	sshrl.u32 s26, $0x2;
	s18 =	sadd.s32 s5, s2  }
0x2a: {  	s19 =	sshrl.u32 s16, $0x2;
	s22 =	sshrl.u32 s20, $0x3;
	[dreg:$0x17] =	wrdreg s15  }
0x2b: {  	s25 =	sadd.s32 s23, s10;
	s5 =	smov.u32 s8;
	[dreg:$0x18] =	wrdreg s0  }
0x2c: {  	s26 =	sadd.s32 $0xF0, s12;
	s12 =	simm.s32 $0x80;
	[dreg:$0x1d] =	wrdreg s18  }
0x2d: {  	s20 =	simm.s32 $0x50;
	s0 =	sadd.s32 s9, s2;
	[smem:$0x7FC] =	sst s25  }
0x2e: {  	s24 =	sadd.s32 s22, s10;
	[smem:$0x7FD] =	sst s26;
	s10 =	simm.s32 $0xA  }
0x2f: {  	s18 =	simm.s32 $0x280;
	s26 =	simm.s32 $0x5300;
	[dreg:$0x19] =	wrdreg s0  }
0x30: {  	s9 =	simm.s32 $0x6;
	s0 =	sadd.s32 s11, s2;
	[dreg:$0x1f] =	wrdreg s24  }
.Ltmp0:
0x31: {  	[dreg:$0x1a] =	wrdreg s0;
	s0 =	sadd.s32 s14, s2;
	(pc) =	sbr.rel .LBB2_1-.Ltmp0, $4  }
0x32: {  	s11 =	simm.s32 $0x180;
	[dreg:$0x1b] =	wrdreg s0;
	s0 =	sadd.s32 s19, s2  }
0x33: {  	s24 =	simm.s32 $0x3;
	s19 =	simm.s32 $0x1;
	[dreg:$0x1e] =	wrdreg s0  }
0x34: {  	s0 =	sadd.s32 s22, s8;
	s8 =	sadd.s32 s23, s8;
	s22 =	simm.s32 $0x2  }
0x35: {  	v0 =	vimm.f32 $0.0e+00;
	v1 =	vimm.f32 $1.000000000e+00;
	s23 =	simm.s32 $0x2B00;
	[smem:$0x7FB] =	sst s0;
	s0 =	simm.s32 $0x5  }
.LBB2_6:
0x36: {  	_ =	swait.ge [sflag:s28], $0x2800  }
0x37: {  	[sflag:s28] =	ssyncset.done $0x0  }
0x38: {  	[sflag:s28] =	ssyncadd.s32 $0xFFFFD800  }
0x39: {  	_ =	swait.ge [sflag:s29], $0x50  }
0x3a: {  	[sflag:s29] =	ssyncset.done $0x0  }
0x3b: {  	[sflag:s29] =	ssyncadd.s32 $0xFFFFFFB0  }
0x3c: {  	[spmem:s2] =	stream.indirect.scatter.add.f32 [tilespmem:s21], [sflag:$0xA], $0x80, s11, s20, $0xb8;
	[tilespmem:$0x1DB00] =	vst v63  }
0x3d: {  	_ =	swait.ge [sflag:s10], $0x2800  }
0x3e: {  	[sflag:s10] =	ssyncset.done $0x0  }
0x3f: {  	[sflag:s10] =	ssyncadd.s32 $0xFFFFD800  }
0x40: {  	v2 =	vld [tilespmem:$0x180];
	_ =	sdelay $0x7  }
0x41: {  	[tilespmem:v2+s30+$0x0] =	vst.idx.add.f32.msk $0xffff, v1  }
0x42: {  	v2 =	vld [tilespmem:$0x190];
	_ =	sdelay $0x7  }
0x43: {  	[tilespmem:v2+s30+$0x0] =	vst.idx.add.f32.msk $0xffff, v1  }
0x44: {  	v2 =	vld [tilespmem:$0x1A0];
	_ =	sdelay $0x7  }
0x45: {  	[tilespmem:v2+s30+$0x0] =	vst.idx.add.f32.msk $0xffff, v1  }
0x46: {  	v2 =	vld [tilespmem:$0x1B0];
	_ =	sdelay $0x7  }
0x47: {  	[tilespmem:v2+s30+$0x0] =	vst.idx.add.f32.msk $0xffff, v1  }
0x48: {  	v2 =	vld [tilespmem:$0x1C0];
	_ =	sdelay $0x7  }
0x49: {  	[tilespmem:v2+s30+$0x0] =	vst.idx.add.f32.msk $0xffff, v1  }
0x4a: {  	_ =	swait.ge [sflag:s31], $0x2800  }
0x4b: {  	[sflag:s31] =	ssyncset.done $0x0  }
0x4c: {  	[sflag:s31] =	ssyncadd.s32 $0xFFFFD800  }
0x4d: {  	_ =	swait.ge [sflag:s0], $0x50  }
0x4e: {  	[sflag:s0] =	ssyncset.done $0x0  }
0x4f: {  	[sflag:s0] =	ssyncadd.s32 $0xFFFFFFB0  }
0x50: {  	[spmem:s2] =	stream.indirect.scatter.add.f32 [tilespmem:s23], [sflag:$0xA], $0x80, s13, s20, $0xb8;
	[tilespmem:$0x1DB00] =	vst v63  }
0x51: {  	_ =	swait.ge [sflag:s10], $0x2800  }
0x52: {  	[sflag:s10] =	ssyncset.done $0x0  }
0x53: {  	[sflag:s10] =	ssyncadd.s32 $0xFFFFD800  }
0x54: {  	v2 =	vld [tilespmem:$0x200];
	_ =	sdelay $0x7  }
0x55: {  	[tilespmem:v2+s30+$0x0] =	vst.idx.add.f32.msk $0xffff, v1  }
0x56: {  	v2 =	vld [tilespmem:$0x210];
	_ =	sdelay $0x7  }
0x57: {  	[tilespmem:v2+s30+$0x0] =	vst.idx.add.f32.msk $0xffff, v1  }
0x58: {  	v2 =	vld [tilespmem:$0x220];
	_ =	sdelay $0x7  }
0x59: {  	[tilespmem:v2+s30+$0x0] =	vst.idx.add.f32.msk $0xffff, v1  }
0x5a: {  	v2 =	vld [tilespmem:$0x230];
	_ =	sdelay $0x7  }
0x5b: {  	[tilespmem:v2+s30+$0x0] =	vst.idx.add.f32.msk $0xffff, v1  }
0x5c: {  	v2 =	vld [tilespmem:$0x240];
	_ =	sdelay $0x7  }
0x5d: {  	[tilespmem:v2+s30+$0x0] =	vst.idx.add.f32.msk $0xffff, v1  }
0x5e: {  	[bflag:$0x0] =	sbarrier.arrive $0xFFFF  }
0x5f: {  	s7 =	sld [smem:$0x7F3]  }
0x60: {  	s14 =	rddreg [dreg:$0x6]  }
0x61: {  	s15 =	rddreg [dreg:$0x17]  }
0x62: {  	[hbm:s14], [sflag:s15] =	dma.local [spmem:s7], $0x500  }
0x63: {  	_ =	swait.ge [sflag:s10], $0x500  }
0x64: {  	s16 =	sld [smem:$0x7F4]  }
0x65: {  	[sflag:s10] =	ssyncset.done $0x0  }
0x66: {  	s7 =	rddreg [dreg:$0x7];
	[sflag:s10] =	ssyncadd.s32 $0xFFFFFB00  }
0x67: {  	[hbm:s7], [sflag:s15] =	dma.local [spmem:s16], $0x500  }
0x68: {  	_ =	swait.ge [sflag:s10], $0x500  }
0x69: {  	s25 =	sld [smem:$0x7F5]  }
0x6a: {  	[sflag:s10] =	ssyncset.done $0x0  }
0x6b: {  	s17 =	rddreg [dreg:$0x8];
	[sflag:s10] =	ssyncadd.s32 $0xFFFFFB00  }
0x6c: {  	[hbm:s17], [sflag:s15] =	dma.local [spmem:s25], $0x500  }
0x6d: {  	_ =	swait.ge [sflag:s10], $0x500  }
0x6e: {  	s16 =	sld [smem:$0x7F6]  }
0x6f: {  	[sflag:s10] =	ssyncset.done $0x0  }
0x70: {  	s7 =	rddreg [dreg:$0x9];
	[sflag:s10] =	ssyncadd.s32 $0xFFFFFB00  }
0x71: {  	[hbm:s7], [sflag:s15] =	dma.local [spmem:s16], $0x500  }
0x72: {  	_ =	swait.ge [sflag:s10], $0x500  }
0x73: {  	s25 =	sld [smem:$0x7F7]  }
0x74: {  	[sflag:s10] =	ssyncset.done $0x0  }
0x75: {  	s17 =	rddreg [dreg:$0xa];
	[sflag:s10] =	ssyncadd.s32 $0xFFFFFB00  }
0x76: {  	[hbm:s17], [sflag:s15] =	dma.local [spmem:s25], $0x500  }
0x77: {  	_ =	swait.ge [sflag:s10], $0x500  }
0x78: {  	s16 =	sld [smem:$0x7F8]  }
0x79: {  	[sflag:s10] =	ssyncset.done $0x0  }
0x7a: {  	s7 =	rddreg [dreg:$0xb];
	[sflag:s10] =	ssyncadd.s32 $0xFFFFFB00  }
0x7b: {  	[hbm:s7], [sflag:s15] =	dma.local [spmem:s16], $0x500  }
0x7c: {  	_ =	swait.ge [sflag:s10], $0x500  }
0x7d: {  	s25 =	sld [smem:$0x7F9]  }
0x7e: {  	[sflag:s10] =	ssyncset.done $0x0  }
0x7f: {  	s17 =	rddreg [dreg:$0xc];
	[sflag:s10] =	ssyncadd.s32 $0xFFFFFB00  }
0x80: {  	[hbm:s17], [sflag:s15] =	dma.local [spmem:s25], $0x500  }
0x81: {  	_ =	swait.ge [sflag:s10], $0x500  }
0x82: {  	s7 =	sld [smem:$0x7FA]  }
0x83: {  	[sflag:s10] =	ssyncset.done $0x0  }
0x84: {  	s14 =	rddreg [dreg:$0xd];
	[sflag:s10] =	ssyncadd.s32 $0xFFFFFB00  }
0x85: {  	[hbm:s14], [sflag:s15] =	dma.local @!p0 [spmem:s7], $0x500  }
0x86: {  	s14 =	simm.s32 @!p0 $0xA  }
0x87: {  	_ =	swait.ge @!p0 [sflag:s14], $0x500  }
0x88: {  	[sflag:s14] =	ssyncset.done @!p0 $0x0  }
0x89: {  	s16 =	simm.s32 $0x400;
	s7 =	rddreg [dreg:$0x5];
	[sflag:s14] =	ssyncadd.s32 @!p0 $0xFFFFFB00  }
0x8a: {  	[hbm4b:s7+s12] =	stream.strided.scatter [tilespmem:s30], [sflag:$0xA], $0x2780, s16, s12, $0x38;
	[tilespmem:$0x1DB00] =	vst v63  }
0x8b: {  	_ =	swait.ge [sflag:s10], $0x2780  }
0x8c: {  	s17 =	sld [smem:$0x7F2];
	_ =	sdelay $0x2  }
0x8d: {  	s25 =	rddreg [dreg:$0x15];
	s7 =	sadd.s32 $0x1, s17  }
0x8e: {  	p1 =	sne.s32 s7, s25  }
.Ltmp1:
0x8f: {  	_ = 	snop;
	(pc) =	sbr.rel @!p1 .LBB2_7-.Ltmp1, $3  }
0x90: {  	_ =	sdelay $0x1  }
0x91: {  	[sflag:s10] =	ssyncset.done $0x0  }
0x92: {  	[sflag:s10] =	ssyncadd.s32 $0xFFFFD880  }
.LBB2_1:
0x93: {  	[smem:$0x7F2] =	sst s7  }
0x94: {  	s14 =	rddreg [dreg:$0x16]  }
0x95: {  	s25 =	sshrl.u32 s14, $0x3;
	s14 =	rddreg [dreg:$0xe]  }
0x96: {  	[smem:$0x7F3] =	sst s25  }
0x97: {  	[spmem:s25], [sflag:s15] =	dma.local [hbm:s14], $0x500  }
0x98: {  	_ =	swait.ge [sflag:s10], $0x500  }
0x99: {  	s16 =	rddreg [dreg:$0x18]  }
0x9a: {  	[sflag:s10] =	ssyncset.done $0x0;
	s16 =	sshrl.u32 s16, $0x3  }
0x9b: {  	[sflag:s10] =	ssyncadd.s32 $0xFFFFFB00;
	[smem:$0x7F4] =	sst s16  }
0x9c: {  	[spmem:s16], [sflag:s15] =	dma.local [hbm:s14], $0x500  }
0x9d: {  	_ =	swait.ge [sflag:s10], $0x500  }
0x9e: {  	s17 =	rddreg [dreg:$0x19]  }
0x9f: {  	[sflag:s10] =	ssyncset.done $0x0;
	s25 =	sshrl.u32 s17, $0x3  }
0xa0: {  	[sflag:s10] =	ssyncadd.s32 $0xFFFFFB00;
	[smem:$0x7F5] =	sst s25  }
0xa1: {  	[spmem:s25], [sflag:s15] =	dma.local [hbm:s14], $0x500  }
0xa2: {  	_ =	swait.ge [sflag:s10], $0x500  }
0xa3: {  	s7 =	rddreg [dreg:$0x1a]  }
0xa4: {  	[sflag:s10] =	ssyncset.done $0x0;
	s16 =	sshrl.u32 s7, $0x3  }
0xa5: {  	[sflag:s10] =	ssyncadd.s32 $0xFFFFFB00;
	[smem:$0x7F6] =	sst s16  }
0xa6: {  	[spmem:s16], [sflag:s15] =	dma.local [hbm:s14], $0x500  }
0xa7: {  	_ =	swait.ge [sflag:s10], $0x500  }
0xa8: {  	s17 =	rddreg [dreg:$0x1b]  }
0xa9: {  	[sflag:s10] =	ssyncset.done $0x0;
	s25 =	sshrl.u32 s17, $0x3  }
0xaa: {  	[sflag:s10] =	ssyncadd.s32 $0xFFFFFB00;
	[smem:$0x7F7] =	sst s25  }
0xab: {  	[spmem:s25], [sflag:s15] =	dma.local [hbm:s14], $0x500  }
0xac: {  	_ =	swait.ge [sflag:s10], $0x500  }
0xad: {  	s7 =	rddreg [dreg:$0x1c]  }
0xae: {  	[sflag:s10] =	ssyncset.done $0x0;
	s16 =	sshrl.u32 s7, $0x3  }
0xaf: {  	[sflag:s10] =	ssyncadd.s32 $0xFFFFFB00;
	[smem:$0x7F8] =	sst s16  }
0xb0: {  	[spmem:s16], [sflag:s15] =	dma.local [hbm:s14], $0x500  }
0xb1: {  	_ =	swait.ge [sflag:s10], $0x500  }
0xb2: {  	s17 =	rddreg [dreg:$0x1d]  }
0xb3: {  	[sflag:s10] =	ssyncset.done $0x0;
	s25 =	sshrl.u32 s17, $0x3  }
0xb4: {  	[sflag:s10] =	ssyncadd.s32 $0xFFFFFB00;
	[smem:$0x7F9] =	sst s25  }
0xb5: {  	[spmem:s25], [sflag:s15] =	dma.local [hbm:s14], $0x500  }
0xb6: {  	_ =	swait.ge [sflag:s10], $0x500  }
0xb7: {  	s16 =	rddreg [dreg:$0x1e]  }
0xb8: {  	[sflag:s10] =	ssyncset.done $0x0;
	s7 =	sshrl.u32 @!p0 s16, $0x3  }
0xb9: {  	[sflag:s10] =	ssyncadd.s32 $0xFFFFFB00;
	s16 =	simm.s32 @!p0 $0xA;
	[smem:$0x7FA] =	sst s7  }
0xba: {  	[spmem:s7], [sflag:s15] =	dma.local @!p0 [hbm:s14], $0x500  }
0xbb: {  	_ =	swait.ge @!p0 [sflag:s16], $0x500  }
0xbc: {  	[sflag:s16] =	ssyncset.done @!p0 $0x0  }
0xbd: {  	s25 =	simm.s32 $0x0;
	[sflag:s16] =	ssyncadd.s32 @!p0 $0xFFFFFB00;
	s16 =	simm.s32 $0x40  }
.LBB2_2:
0xbe: {  	p1 =	sne.s32 s16, $0x9C00;
	[tilespmem:s25+$0x7B00] =	vst v0;
	s25 =	smov.u32 s16;
	s16 =	sadd.s32 $0x40, s16  }
.Ltmp2:
0xbf: {  	(pc) =	sbr.rel @p1 .LBB2_2-.Ltmp2, $2  }
0xc0: {  	_ =	sdelay $0x2  }
0xc1: {  	s25 =	sshra.s32 s25, $0x2  }
0xc2: {  	[tilespmem:s25+$0x7B00] =	vst v0  }
0xc3: {  	[bflag:$0x0] =	sbarrier.arrive $0xFFFF  }
0xc4: {  	s16 =	simm.s32 $0x0;
	s14 =	rddreg [dreg:$0x11]  }
0xc5: {  	[tilespmem:s16], [sflag:$0x1] =	stream.linear.gather [hbm4b:s14+s16], $0x50, $0x38;
	[tilespmem:$0x1DB00] =	vst v63  }
0xc6: {  	s25 =	rddreg [dreg:$0x12]  }
0xc7: {  	[tilespmem:s11], [sflag:$0x4] =	stream.linear.gather [hbm4b:s25+s16], $0x50, $0x38;
	[tilespmem:$0x1DB00] =	vst v63  }
0xc8: {  	s7 =	rddreg [dreg:$0xf]  }
0xc9: {  	[tilespmem:s12], [sflag:$0x2] =	stream.linear.gather [hbm4b:s7+s16], $0x50, $0x38;
	[tilespmem:$0x1DB00] =	vst v63  }
0xca: {  	s15 =	rddreg [dreg:$0x10]  }
0xcb: {  	[tilespmem:s13], [sflag:$0x5] =	stream.linear.gather [hbm4b:s15+s16], $0x50, $0x38;
	[tilespmem:$0x1DB00] =	vst v63  }
0xcc: {  	s17 =	rddreg [dreg:$0x13];
	s15 =	simm.s32 $0x100  }
0xcd: {  	[tilespmem:s15], [sflag:$0x3] =	stream.linear.gather [hbm4b:s17+s16], $0x50, $0x38;
	[tilespmem:$0x1DB00] =	vst v63  }
0xce: {  	s25 =	rddreg [dreg:$0x14]  }
0xcf: {  	[tilespmem:s18], [sflag:$0x6] =	stream.linear.gather [hbm4b:s25+s16], $0x50, $0x38;
	[tilespmem:$0x1DB00] =	vst v63  }
0xd0: {  	_ =	swait.ge [sflag:s19], $0x50  }
0xd1: {  	[sflag:s19] =	ssyncset.done $0x0  }
0xd2: {  	[sflag:s19] =	ssyncadd.s32 $0xFFFFFFB0  }
0xd3: {  	[tilespmem:s21], [sflag:$0x7] =	stream.indirect.gather [hbm4b:s1+s20], $0x80, s16, s20, $0xb8;
	[tilespmem:$0x1DB00] =	vst v63  }
0xd4: {  	_ =	swait.ge [sflag:s22], $0x50  }
0xd5: {  	[sflag:s22] =	ssyncset.done $0x0  }
0xd6: {  	[sflag:s22] =	ssyncadd.s32 $0xFFFFFFB0  }
0xd7: {  	[tilespmem:s23], [sflag:$0x8] =	stream.indirect.gather [hbm4b:s1+s20], $0x80, s12, s20, $0xb8;
	[tilespmem:$0x1DB00] =	vst v63  }
0xd8: {  	_ =	swait.ge [sflag:s24], $0x50  }
0xd9: {  	[sflag:s24] =	ssyncset.done $0x0  }
0xda: {  	s7 =	simm.s32 $0x100;
	s25 =	sld [smem:$0x7FD];
	[sflag:s24] =	ssyncadd.s32 $0xFFFFFFB0  }
0xdb: {  	[tilespmem:s26], [sflag:$0x9] =	stream.indirect.gather [hbm4b:s1+s20], $0x80, s15, s20, $0xb8;
	[tilespmem:$0x1DB00] =	vst v63  }
.LBB2_4:
0xdc: {  	_ =	swait.ge [sflag:s28], $0x2800  }
0xdd: {  	[sflag:s28] =	ssyncset.done $0x0;
	s17 =	sshrl.u32 s25, $0x3  }
0xde: {  	[sflag:s28] =	ssyncadd.s32 $0xFFFFD800;
	s14 =	sadd.s32 s5, s17  }
0xdf: {  	[tilespmem:s4], [sflag:$0x1] =	stream.linear.gather [hbm4b:s14+s4], $0x50, $0x38;
	[tilespmem:$0x1DB00] =	vst v63  }
0xe0: {  	_ =	swait.ge [sflag:s29], $0x50  }
0xe1: {  	[sflag:s29] =	ssyncset.done $0x0  }
0xe2: {  	[sflag:s29] =	ssyncadd.s32 $0xFFFFFFB0  }
0xe3: {  	[spmem:s2] =	stream.indirect.scatter.add.f32 [tilespmem:s21], [sflag:$0xA], $0x80, s11, s20, $0xb8;
	[tilespmem:$0x1DB00] =	vst v63  }
0xe4: {  	_ =	swait.ge [sflag:s10], $0x2800  }
0xe5: {  	[sflag:s10] =	ssyncset.done $0x0  }
0xe6: {  	[sflag:s10] =	ssyncadd.s32 $0xFFFFD800  }
0xe7: {  	v2 =	vld [tilespmem:$0x180];
	_ =	sdelay $0x7  }
0xe8: {  	[tilespmem:v2+s30+$0x0] =	vst.idx.add.f32.msk $0xffff, v1  }
0xe9: {  	v2 =	vld [tilespmem:$0x190];
	_ =	sdelay $0x7  }
0xea: {  	[tilespmem:v2+s30+$0x0] =	vst.idx.add.f32.msk $0xffff, v1  }
0xeb: {  	v2 =	vld [tilespmem:$0x1A0];
	_ =	sdelay $0x7  }
0xec: {  	[tilespmem:v2+s30+$0x0] =	vst.idx.add.f32.msk $0xffff, v1  }
0xed: {  	v2 =	vld [tilespmem:$0x1B0];
	_ =	sdelay $0x7  }
0xee: {  	[tilespmem:v2+s30+$0x0] =	vst.idx.add.f32.msk $0xffff, v1  }
0xef: {  	v2 =	vld [tilespmem:$0x1C0];
	_ =	sdelay $0x7  }
0xf0: {  	s17 =	sadd.s32 s6, s17;
	[tilespmem:v2+s30+$0x0] =	vst.idx.add.f32.msk $0xffff, v1  }
0xf1: {  	[tilespmem:s11], [sflag:$0x4] =	stream.linear.gather [hbm4b:s17+s4], $0x50, $0x38;
	[tilespmem:$0x1DB00] =	vst v63  }
0xf2: {  	_ =	swait.ge [sflag:s19], $0x50  }
0xf3: {  	[sflag:s19] =	ssyncset.done $0x0  }
0xf4: {  	[sflag:s19] =	ssyncadd.s32 $0xFFFFFFB0  }
0xf5: {  	[tilespmem:s21], [sflag:$0x7] =	stream.indirect.gather [hbm4b:s1+s20], $0x80, s4, s20, $0xb8;
	[tilespmem:$0x1DB00] =	vst v63  }
0xf6: {  	_ =	swait.ge [sflag:s31], $0x2800  }
0xf7: {  	[sflag:s31] =	ssyncset.done $0x0  }
0xf8: {  	s15 =	sadd.s32 s16, s8;
	[sflag:s31] =	ssyncadd.s32 $0xFFFFD800  }
0xf9: {  	[tilespmem:s12], [sflag:$0x2] =	stream.linear.gather [hbm4b:s15+s4], $0x50, $0x38;
	[tilespmem:$0x1DB00] =	vst v63  }
0xfa: {  	_ =	swait.ge [sflag:s0], $0x50  }
0xfb: {  	[sflag:s0] =	ssyncset.done $0x0  }
0xfc: {  	[sflag:s0] =	ssyncadd.s32 $0xFFFFFFB0  }
0xfd: {  	[spmem:s2] =	stream.indirect.scatter.add.f32 [tilespmem:s23], [sflag:$0xA], $0x80, s13, s20, $0xb8;
	[tilespmem:$0x1DB00] =	vst v63  }
0xfe: {  	_ =	swait.ge [sflag:s10], $0x2800  }
0xff: {  	[sflag:s10] =	ssyncset.done $0x0  }
0x100: {  	[sflag:s10] =	ssyncadd.s32 $0xFFFFD800  }
0x101: {  	v2 =	vld [tilespmem:$0x200];
	_ =	sdelay $0x7  }
0x102: {  	[tilespmem:v2+s30+$0x0] =	vst.idx.add.f32.msk $0xffff, v1  }
0x103: {  	v2 =	vld [tilespmem:$0x210];
	_ =	sdelay $0x7  }
0x104: {  	[tilespmem:v2+s30+$0x0] =	vst.idx.add.f32.msk $0xffff, v1  }
0x105: {  	v2 =	vld [tilespmem:$0x220];
	_ =	sdelay $0x7  }
0x106: {  	[tilespmem:v2+s30+$0x0] =	vst.idx.add.f32.msk $0xffff, v1  }
0x107: {  	v2 =	vld [tilespmem:$0x230];
	_ =	sdelay $0x7  }
0x108: {  	[tilespmem:v2+s30+$0x0] =	vst.idx.add.f32.msk $0xffff, v1  }
0x109: {  	v2 =	vld [tilespmem:$0x240];
	_ =	sdelay $0x4  }
0x10a: {  	s17 =	sld [smem:$0x7FC];
	_ =	sdelay $0x2  }
0x10b: {  	s14 =	sadd.s32 s16, s17;
	[tilespmem:v2+s30+$0x0] =	vst.idx.add.f32.msk $0xffff, v1  }
0x10c: {  	[tilespmem:s13], [sflag:$0x5] =	stream.linear.gather [hbm4b:s14+s4], $0x50, $0x38;
	[tilespmem:$0x1DB00] =	vst v63  }
0x10d: {  	_ =	swait.ge [sflag:s22], $0x50  }
0x10e: {  	[sflag:s22] =	ssyncset.done $0x0  }
0x10f: {  	[sflag:s22] =	ssyncadd.s32 $0xFFFFFFB0  }
0x110: {  	[tilespmem:s23], [sflag:$0x8] =	stream.indirect.gather [hbm4b:s1+s20], $0x80, s12, s20, $0xb8;
	[tilespmem:$0x1DB00] =	vst v63  }
0x111: {  	_ =	swait.ge [sflag:s3], $0x2800  }
0x112: {  	s14 =	sld [smem:$0x7FB]  }
0x113: {  	p1 =	seq.s32 s16, $0x4B0  }
0x114: {  	s15 =	simm.s32 @!p1 $0x100;
	[sflag:s3] =	ssyncset.done $0x0  }
0x115: {  	s17 =	simm.s32 @!p1 $0x0;
	[sflag:s3] =	ssyncadd.s32 $0xFFFFD800;
	s14 =	sadd.s32 @!p1 s16, s14  }
0x116: {  	[tilespmem:s15], [sflag:$0x3] =	stream.linear.gather @!p1 [hbm4b:s14+s17], $0x50, $0x38;
	[tilespmem:$0x1DB00] =	vst v63  }
0x117: {  	_ =	swait.ge [sflag:s9], $0x50  }
0x118: {  	[sflag:s9] =	ssyncset.done $0x0  }
0x119: {  	[sflag:s9] =	ssyncadd.s32 $0xFFFFFFB0  }
0x11a: {  	[spmem:s2] =	stream.indirect.scatter.add.f32 [tilespmem:s26], [sflag:$0xA], $0x80, s18, s20, $0xb8;
	[tilespmem:$0x1DB00] =	vst v63  }
0x11b: {  	_ =	swait.ge [sflag:s10], $0x2800  }
0x11c: {  	[sflag:s10] =	ssyncset.done $0x0  }
0x11d: {  	[sflag:s10] =	ssyncadd.s32 $0xFFFFD800  }
0x11e: {  	v2 =	vld [tilespmem:$0x280];
	_ =	sdelay $0x7  }
0x11f: {  	[tilespmem:v2+s30+$0x0] =	vst.idx.add.f32.msk $0xffff, v1  }
0x120: {  	v2 =	vld [tilespmem:$0x290];
	_ =	sdelay $0x7  }
0x121: {  	[tilespmem:v2+s30+$0x0] =	vst.idx.add.f32.msk $0xffff, v1  }
0x122: {  	v2 =	vld [tilespmem:$0x2A0];
	_ =	sdelay $0x7  }
0x123: {  	[tilespmem:v2+s30+$0x0] =	vst.idx.add.f32.msk $0xffff, v1  }
0x124: {  	v2 =	vld [tilespmem:$0x2B0];
	_ =	sdelay $0x7  }
0x125: {  	[tilespmem:v2+s30+$0x0] =	vst.idx.add.f32.msk $0xffff, v1  }
0x126: {  	v2 =	vld [tilespmem:$0x2C0];
	_ =	sdelay $0x3  }
.Ltmp3:
0x127: {  	_ = 	snop;
	(pc) =	sbr.rel @p1 .LBB2_6-.Ltmp3, $2  }
0x128: {  	_ =	sdelay $0x2  }
0x129: {  	[tilespmem:v2+s30+$0x0] =	vst.idx.add.f32.msk $0xffff, v1  }
0x12a: {  	s14 =	rddreg [dreg:$0x1f]  }
0x12b: {  	s14 =	sadd.s32 s16, s14  }
0x12c: {  	[tilespmem:s18], [sflag:$0x6] =	stream.linear.gather [hbm4b:s14+s4], $0x50, $0x38;
	[tilespmem:$0x1DB00] =	vst v63  }
.Ltmp4:
0x12d: {  	_ = 	snop;
	(pc) =	sbr.rel .LBB2_4-.Ltmp4, $4  }
0x12e: {  	_ =	swait.ge [sflag:s24], $0x50  }
0x12f: {  	[sflag:s24] =	ssyncset.done $0x0  }
0x130: {  	s25 =	sadd.s32 $0xF0, s25;
	s16 =	sadd.s32 $0x1E, s16;
	[sflag:s24] =	ssyncadd.s32 $0xFFFFFFB0  }
0x131: {  	[tilespmem:s26], [sflag:$0x9] =	stream.indirect.gather [hbm4b:s1+s20], $0x80, s7, s20, $0xb8;
	[tilespmem:$0x1DB00] =	vst v63  }
.LBB2_7:
0x132: {  	_ =	sfence.sel $0x180000  }
0x133: {  	[bflag:$0x0] =	sbarrier.arrive $0xFFFF  }
0x134: {  	_ =	strace $0x90000047  }
0x135: {  	s0 =	stileid.u32;
	[bflag:$0x2] =	sbarrier.arrive $0xFFFF  }
0x136: {  	p0 =	sne.s32 s0, $0x0;
	s0 =	rddreg [dreg:$0x4]  }
0x137: {  	s0 =	sadd.s32 @!p0 $0x100000, s0  }
0x138: {  	[sflag:s0] =	ssyncadd.tile.s32 @!p0 $0x1;
	_ =	shalt  }
.Lfunc_end2:
_tile_overlayer_lowered:
.L_overlay_start_2:
0x139: {  	(tag) =	ssettag $0x2  }
0x13a: {  	s0 =	rddreg [dreg:$0x0];
	s2 =	stileid.u32  }
0x13b: {  	s1 =	rddreg [dreg:$0x1];
	p0 =	sne.s32 s2, $0x0  }
0x13c: {  	s3 =	rddreg [dreg:$0x2];
	[bflag:$0x3] =	sbarrier.arrive $0xFFFF;
	s2 =	simm.s32 @!p0 $0x1C0A  }
0x13d: {  	[timem:s3], [sflag:s2] =	dma.local @!p0 [hbm:s0], s1  }
0x13e: {  	s0 =	simm.s32 @!p0 $0xA  }
0x13f: {  	_ =	swait.ge @!p0 [sflag:s0], s1  }
0x140: {  	s1 =	ssub.s32 @!p0 $0x0, s1;
	[sflag:s0] =	ssyncset.done @!p0 $0x0  }
0x141: {  	[sflag:s0] =	ssyncadd.s32 @!p0 s1  }
0x142: {  	[bflag:$0x3] =	sbarrier.arrive $0xFFFF  }
0x143: {  	_ =	shalt  }

</sc_bundles>
